<compile_context>
chip_gen: v7x
topology: tpu7x:2x2x1
jax: 0.10.2.dev20260603
libtpu: 0.0.44.dev20260713+nightly
codegen_flags: <defaults>
</compile_context>

<pallas_src>
import functools

import jax
import jax.numpy as jnp
from jax import lax
from jax.experimental import pallas as pl
from jax.experimental.pallas import tpu as pltpu
from jax.experimental.pallas import tpu_sc as plsc

EMBD = 128
CHUNK = 128
NBUF = 5
AHEAD = 3


@functools.cache
def _make_impl(n_total: int, vocab: int):
    info = plsc.get_sparse_core_info()
    nc, ns = info.num_cores, info.num_subcores
    nw = nc * ns
    n_per_w = n_total // nw
    n_chunks = n_per_w // CHUNK
    assert n_per_w * nw == n_total and n_chunks * CHUNK == n_per_w
    assert n_chunks % NBUF == 0

    mesh = plsc.VectorSubcoreMesh(core_axis_name="c", subcore_axis_name="s")

    @functools.partial(
        pl.kernel,
        out_type=jax.ShapeDtypeStruct((n_total, EMBD), jnp.float32),
        mesh=mesh,
        scratch_types=[
            pltpu.VMEM((n_chunks, CHUNK), jnp.int32),
            pltpu.VMEM((NBUF, CHUNK, EMBD), jnp.float32),
            pltpu.VMEM_SHARED((vocab, EMBD), jnp.float32),
            pltpu.SemaphoreType.DMA((NBUF,)),
            pltpu.SemaphoreType.DMA((NBUF,)),
        ],
    )
    def impl(idx_hbm, table_hbm, out_hbm, idx_v, rows_v, table_v, gsem, wsem):
        sid = lax.axis_index("s")
        wid = sid * nc + lax.axis_index("c")
        base = wid * n_per_w
        pltpu.sync_copy(idx_hbm.at[wid], idx_v)

        @pl.when(sid == 0)
        def _():
            pltpu.sync_copy(table_hbm, table_v)

        plsc.subcore_barrier()

        def gather(c, b):
            pltpu.async_copy(table_v.at[idx_v.at[c]], rows_v.at[b], gsem.at[b])

        def wait_gather(b):
            pltpu.make_async_copy(
                out_hbm.at[pl.ds(0, CHUNK)], rows_v.at[b], gsem.at[b]
            ).wait()

        def writeback(c, b):
            pltpu.async_copy(
                rows_v.at[b], out_hbm.at[pl.ds(base + c * CHUNK, CHUNK)], wsem.at[b]
            )

        def wait_writeback(b):
            pltpu.make_async_copy(
                rows_v.at[b], out_hbm.at[pl.ds(base, CHUNK)], wsem.at[b]
            ).wait()

        for b in range(NBUF):
            gather(b, b)

        def body(g, _):
            for b in range(NBUF):
                c = g * NBUF + b
                wait_gather(b)
                writeback(c, b)
                t = c + AHEAD
                tb = (b + AHEAD) % NBUF

                @pl.when(jnp.logical_and(t >= NBUF, t < n_chunks))
                def _():
                    wait_writeback(tb)
                    gather(t, tb)

            return _

        lax.fori_loop(0, n_chunks // NBUF, body, None)
        for b in range(NBUF):
            wait_writeback(b)

    return impl


def kernel(vis, table):
    b, h = vis.shape
    n_total = b * h
    info = plsc.get_sparse_core_info()
    nw = info.num_cores * info.num_subcores
    idx = vis.astype(jnp.int32).reshape(nw, (n_total // nw) // CHUNK, CHUNK)
    out = _make_impl(n_total, table.shape[0])(idx, table)
    return out.reshape(b, h, EMBD)

# --- scband reference (transcript-rebuilt; emitter-appended) ---
"""Pipeline reference for scband-vis-embd-patch-79465484910800 (READ-ONLY COPY).

The authoritative reference and input builder live on the scoring server;
editing this copy changes nothing except your own understanding.
"""

import jax, jax.numpy as jnp
import numpy as np

EMBD_SIZE = 128
VOCAB = 64
BATCH = 4096
HIST = 200

def setup_inputs(seed: int = 0) -> dict:
    key = jax.random.key(seed)
    k_idx, k_tab = jax.random.split(key)
    vis = jax.random.randint(k_idx, (BATCH, HIST), 0, VOCAB, dtype=jnp.int64 if jax.config.jax_enable_x64 else jnp.int32)
    table = jax.random.normal(k_tab, (VOCAB, EMBD_SIZE), dtype=jnp.float32)
    return {"vis": vis, "table": table}

def reference(vis, table):
    # nn.Embedding lookup: out[b, l, :] = table[vis[b, l], :]
    aux = jnp.take(table, vis, axis=0)
    return aux

if __name__ == "__main__":
    import jax
    _d = setup_inputs()
    print(jax.jit(kernel)(*tuple(_d.values())))

</pallas_src>

<mosaic_0001>
#map = affine_map<(d0, d1) -> (0, 0, 0)>
#map1 = affine_map<(d0, d1) -> (0, 0)>
module attributes {stable_mosaic.version = 14 : i64} {
  func.func @impl(%arg0: i32, %arg1: i32, %arg2: memref<32x200x128xi32, #tpu.memory_space<hbm>>, %arg3: memref<64x128xf32, #tpu.memory_space<hbm>>, %arg4: memref<819200x128xf32, #tpu.memory_space<hbm>>, %arg5: memref<200x128xi32, #tpu.memory_space<vmem>>, %arg6: memref<5x128x128xf32, #tpu.memory_space<vmem>>, %arg7: memref<64x128xf32, #tpu.memory_space<vmem_shared>>, %arg8: memref<5x!tpu.dma_semaphore, #tpu.memory_space<semaphore_mem>>, %arg9: memref<5x!tpu.dma_semaphore, #tpu.memory_space<semaphore_mem>>) attributes {dimension_semantics = [#tpu.dimension_semantics<core_parallel>, #tpu.dimension_semantics<subcore_parallel>], iteration_bounds = array<i64: 2, 16>, scalar_prefetch = 0 : i64, scratch_operands = 5 : i64, tpu.core_type = #tpu.core_type<sc_vector_subcore>, window_params = [{transform_indices = #map}, {transform_indices = #map1}, {transform_indices = #map1}]} {
    %mul3A = arith.constant 2 : i32
    %mul3A_0 = arith.muli %arg1, %mul3A : i32
    %add3A = arith.addi %mul3A_0, %arg0 : i32
    %mul3A_1 = arith.constant 25600 : i32
    %mul3A_2 = arith.muli %add3A, %mul3A_1 : i32
    "tpu.region"() ({
      %run_scoped3A = tpu.sem_alloc : memref<!tpu.dma_semaphore, #tpu.memory_space<semaphore_mem>>
      %dma_start3A_162 = arith.constant 0 : i32
      %dma_start3A_163 = arith.constant 0 : i32
      %dma_start3A_164 = tpu.memref_slice %arg2[%add3A, %dma_start3A_162, %dma_start3A_163] : memref<32x200x128xi32, #tpu.memory_space<hbm>> -> memref<1x200x128xi32, #tpu.memory_space<hbm>>
      %dma_start3A_165 = tpu.memref_squeeze %dma_start3A_164 : memref<1x200x128xi32, #tpu.memory_space<hbm>> -> memref<200x128xi32, #tpu.memory_space<hbm>>
      %dma_start3A_166 = arith.constant 0 : i32
      %dma_start3A_167 = arith.constant 0 : i32
      %dma_start3A_168 = tpu.memref_slice %arg2[%add3A, %dma_start3A_166, %dma_start3A_167] : memref<32x200x128xi32, #tpu.memory_space<hbm>> -> memref<1x200x128xi32, #tpu.memory_space<hbm>>
      %dma_start3A_169 = tpu.memref_squeeze %dma_start3A_168 : memref<1x200x128xi32, #tpu.memory_space<hbm>> -> memref<200x128xi32, #tpu.memory_space<hbm>>
      tpu.enqueue_dma source(%dma_start3A_169 : memref<200x128xi32, #tpu.memory_space<hbm>>) target(%arg5 : memref<200x128xi32, #tpu.memory_space<vmem>>) target_semaphore(%run_scoped3A : memref<!tpu.dma_semaphore, #tpu.memory_space<semaphore_mem>>)
      %dma_wait3A_170 = arith.constant 0 : i32
      %dma_wait3A_171 = arith.constant 0 : i32
      %dma_wait3A_172 = tpu.memref_slice %arg2[%add3A, %dma_wait3A_170, %dma_wait3A_171] : memref<32x200x128xi32, #tpu.memory_space<hbm>> -> memref<1x200x128xi32, #tpu.memory_space<hbm>>
      %dma_wait3A_173 = tpu.memref_squeeze %dma_wait3A_172 : memref<1x200x128xi32, #tpu.memory_space<hbm>> -> memref<200x128xi32, #tpu.memory_space<hbm>>
      %dma_wait3A_174 = arith.constant 0 : i32
      %dma_wait3A_175 = arith.constant 0 : i32
      %dma_wait3A_176 = tpu.memref_slice %arg2[%add3A, %dma_wait3A_174, %dma_wait3A_175] : memref<32x200x128xi32, #tpu.memory_space<hbm>> -> memref<1x200x128xi32, #tpu.memory_space<hbm>>
      %dma_wait3A_177 = tpu.memref_squeeze %dma_wait3A_176 : memref<1x200x128xi32, #tpu.memory_space<hbm>> -> memref<200x128xi32, #tpu.memory_space<hbm>>
      tpu.wait_dma2 semaphore(%run_scoped3A : memref<!tpu.dma_semaphore, #tpu.memory_space<semaphore_mem>>) src(%dma_wait3A_177 : memref<200x128xi32, #tpu.memory_space<hbm>>) dst(%arg5 : memref<200x128xi32, #tpu.memory_space<vmem>>)
      tpu.yield
    }) : () -> ()
    %eq3A = arith.constant 0 : i32
    %eq3A_3 = arith.cmpi eq, %arg1, %eq3A : i32
    %convert_element_type3A = arith.extui %eq3A_3 : i1 to i32
    %cond3A = arith.constant 0 : i32
    %cond3A_4 = arith.cmpi ne, %convert_element_type3A, %cond3A : i32
    scf.if %cond3A_4 {
      "tpu.region"() ({
        %run_scoped3A = tpu.sem_alloc : memref<!tpu.dma_semaphore, #tpu.memory_space<semaphore_mem>>
        tpu.enqueue_dma source(%arg3 : memref<64x128xf32, #tpu.memory_space<hbm>>) target(%arg7 : memref<64x128xf32, #tpu.memory_space<vmem_shared>>) target_semaphore(%run_scoped3A : memref<!tpu.dma_semaphore, #tpu.memory_space<semaphore_mem>>)
        tpu.wait_dma2 semaphore(%run_scoped3A : memref<!tpu.dma_semaphore, #tpu.memory_space<semaphore_mem>>) src(%arg3 : memref<64x128xf32, #tpu.memory_space<hbm>>) dst(%arg7 : memref<64x128xf32, #tpu.memory_space<vmem_shared>>)
        tpu.yield
      }) : () -> ()
    } else {
    }
    %barrier3A = arith.constant 0 : index
    tpu.barrier barrier_id(%barrier3A)
    %dma_start3A = arith.constant 0 : i32
    %dma_start3A_5 = arith.constant 0 : i32
    %dma_start3A_6 = arith.constant 0 : i32
    %dma_start3A_7 = arith.constant 0 : i32
    %dma_start3A_8 = arith.constant 0 : i32
    %dma_start3A_9 = tpu.memref_slice %arg6[%dma_start3A_5, %dma_start3A_7, %dma_start3A_8] : memref<5x128x128xf32, #tpu.memory_space<vmem>> -> memref<1x128x128xf32, #tpu.memory_space<vmem>>
    %dma_start3A_10 = tpu.memref_squeeze %dma_start3A_9 : memref<1x128x128xf32, #tpu.memory_space<vmem>> -> memref<128x128xf32, #tpu.memory_space<vmem>>
    %dma_start3A_11 = arith.constant 0 : i32
    %dma_start3A_12 = tpu.memref_slice %arg5[%dma_start3A, %dma_start3A_11] : memref<200x128xi32, #tpu.memory_space<vmem>> -> memref<1x128xi32, #tpu.memory_space<vmem>>
    %dma_start3A_13 = tpu.memref_squeeze %dma_start3A_12 : memref<1x128xi32, #tpu.memory_space<vmem>> -> memref<128xi32, #tpu.memory_space<vmem>>
    %dma_start3A_14 = arith.constant 0 : i32
    %dma_start3A_15 = arith.constant 0 : i32
    %dma_start3A_16 = tpu.memref_slice %arg7[%dma_start3A_14, %dma_start3A_15] : memref<64x128xf32, #tpu.memory_space<vmem_shared>> -> memref<64x128xf32, #tpu.memory_space<vmem_shared>>
    %dma_start3A_17 = tpu.memref_slice %arg8[%dma_start3A_6] : memref<5x!tpu.dma_semaphore, #tpu.memory_space<semaphore_mem>> -> memref<1x!tpu.dma_semaphore, #tpu.memory_space<semaphore_mem>>
    %dma_start3A_18 = tpu.memref_squeeze %dma_start3A_17 : memref<1x!tpu.dma_semaphore, #tpu.memory_space<semaphore_mem>> -> memref<!tpu.dma_semaphore, #tpu.memory_space<semaphore_mem>>
    tpu.enqueue_indirect_dma source(%dma_start3A_16 : memref<64x128xf32, #tpu.memory_space<vmem_shared>>) target(%dma_start3A_10 : memref<128x128xf32, #tpu.memory_space<vmem>>) offsets(%dma_start3A_13 : memref<128xi32, #tpu.memory_space<vmem>>) semaphore(%dma_start3A_18 : memref<!tpu.dma_semaphore, #tpu.memory_space<semaphore_mem>>)
    %dma_start3A_19 = arith.constant 1 : i32
    %dma_start3A_20 = arith.constant 1 : i32
    %dma_start3A_21 = arith.constant 1 : i32
    %dma_start3A_22 = arith.constant 0 : i32
    %dma_start3A_23 = arith.constant 0 : i32
    %dma_start3A_24 = tpu.memref_slice %arg6[%dma_start3A_20, %dma_start3A_22, %dma_start3A_23] : memref<5x128x128xf32, #tpu.memory_space<vmem>> -> memref<1x128x128xf32, #tpu.memory_space<vmem>>
    %dma_start3A_25 = tpu.memref_squeeze %dma_start3A_24 : memref<1x128x128xf32, #tpu.memory_space<vmem>> -> memref<128x128xf32, #tpu.memory_space<vmem>>
    %dma_start3A_26 = arith.constant 0 : i32
    %dma_start3A_27 = tpu.memref_slice %arg5[%dma_start3A_19, %dma_start3A_26] : memref<200x128xi32, #tpu.memory_space<vmem>> -> memref<1x128xi32, #tpu.memory_space<vmem>>
    %dma_start3A_28 = tpu.memref_squeeze %dma_start3A_27 : memref<1x128xi32, #tpu.memory_space<vmem>> -> memref<128xi32, #tpu.memory_space<vmem>>
    %dma_start3A_29 = arith.constant 0 : i32
    %dma_start3A_30 = arith.constant 0 : i32
    %dma_start3A_31 = tpu.memref_slice %arg7[%dma_start3A_29, %dma_start3A_30] : memref<64x128xf32, #tpu.memory_space<vmem_shared>> -> memref<64x128xf32, #tpu.memory_space<vmem_shared>>
    %dma_start3A_32 = tpu.memref_slice %arg8[%dma_start3A_21] : memref<5x!tpu.dma_semaphore, #tpu.memory_space<semaphore_mem>> -> memref<1x!tpu.dma_semaphore, #tpu.memory_space<semaphore_mem>>
    %dma_start3A_33 = tpu.memref_squeeze %dma_start3A_32 : memref<1x!tpu.dma_semaphore, #tpu.memory_space<semaphore_mem>> -> memref<!tpu.dma_semaphore, #tpu.memory_space<semaphore_mem>>
    tpu.enqueue_indirect_dma source(%dma_start3A_31 : memref<64x128xf32, #tpu.memory_space<vmem_shared>>) target(%dma_start3A_25 : memref<128x128xf32, #tpu.memory_space<vmem>>) offsets(%dma_start3A_28 : memref<128xi32, #tpu.memory_space<vmem>>) semaphore(%dma_start3A_33 : memref<!tpu.dma_semaphore, #tpu.memory_space<semaphore_mem>>)
    %dma_start3A_34 = arith.constant 2 : i32
    %dma_start3A_35 = arith.constant 2 : i32
    %dma_start3A_36 = arith.constant 2 : i32
    %dma_start3A_37 = arith.constant 0 : i32
    %dma_start3A_38 = arith.constant 0 : i32
    %dma_start3A_39 = tpu.memref_slice %arg6[%dma_start3A_35, %dma_start3A_37, %dma_start3A_38] : memref<5x128x128xf32, #tpu.memory_space<vmem>> -> memref<1x128x128xf32, #tpu.memory_space<vmem>>
    %dma_start3A_40 = tpu.memref_squeeze %dma_start3A_39 : memref<1x128x128xf32, #tpu.memory_space<vmem>> -> memref<128x128xf32, #tpu.memory_space<vmem>>
    %dma_start3A_41 = arith.constant 0 : i32
    %dma_start3A_42 = tpu.memref_slice %arg5[%dma_start3A_34, %dma_start3A_41] : memref<200x128xi32, #tpu.memory_space<vmem>> -> memref<1x128xi32, #tpu.memory_space<vmem>>
    %dma_start3A_43 = tpu.memref_squeeze %dma_start3A_42 : memref<1x128xi32, #tpu.memory_space<vmem>> -> memref<128xi32, #tpu.memory_space<vmem>>
    %dma_start3A_44 = arith.constant 0 : i32
    %dma_start3A_45 = arith.constant 0 : i32
    %dma_start3A_46 = tpu.memref_slice %arg7[%dma_start3A_44, %dma_start3A_45] : memref<64x128xf32, #tpu.memory_space<vmem_shared>> -> memref<64x128xf32, #tpu.memory_space<vmem_shared>>
    %dma_start3A_47 = tpu.memref_slice %arg8[%dma_start3A_36] : memref<5x!tpu.dma_semaphore, #tpu.memory_space<semaphore_mem>> -> memref<1x!tpu.dma_semaphore, #tpu.memory_space<semaphore_mem>>
    %dma_start3A_48 = tpu.memref_squeeze %dma_start3A_47 : memref<1x!tpu.dma_semaphore, #tpu.memory_space<semaphore_mem>> -> memref<!tpu.dma_semaphore, #tpu.memory_space<semaphore_mem>>
    tpu.enqueue_indirect_dma source(%dma_start3A_46 : memref<64x128xf32, #tpu.memory_space<vmem_shared>>) target(%dma_start3A_40 : memref<128x128xf32, #tpu.memory_space<vmem>>) offsets(%dma_start3A_43 : memref<128xi32, #tpu.memory_space<vmem>>) semaphore(%dma_start3A_48 : memref<!tpu.dma_semaphore, #tpu.memory_space<semaphore_mem>>)
    %dma_start3A_49 = arith.constant 3 : i32
    %dma_start3A_50 = arith.constant 3 : i32
    %dma_start3A_51 = arith.constant 3 : i32
    %dma_start3A_52 = arith.constant 0 : i32
    %dma_start3A_53 = arith.constant 0 : i32
    %dma_start3A_54 = tpu.memref_slice %arg6[%dma_start3A_50, %dma_start3A_52, %dma_start3A_53] : memref<5x128x128xf32, #tpu.memory_space<vmem>> -> memref<1x128x128xf32, #tpu.memory_space<vmem>>
    %dma_start3A_55 = tpu.memref_squeeze %dma_start3A_54 : memref<1x128x128xf32, #tpu.memory_space<vmem>> -> memref<128x128xf32, #tpu.memory_space<vmem>>
    %dma_start3A_56 = arith.constant 0 : i32
    %dma_start3A_57 = tpu.memref_slice %arg5[%dma_start3A_49, %dma_start3A_56] : memref<200x128xi32, #tpu.memory_space<vmem>> -> memref<1x128xi32, #tpu.memory_space<vmem>>
    %dma_start3A_58 = tpu.memref_squeeze %dma_start3A_57 : memref<1x128xi32, #tpu.memory_space<vmem>> -> memref<128xi32, #tpu.memory_space<vmem>>
    %dma_start3A_59 = arith.constant 0 : i32
    %dma_start3A_60 = arith.constant 0 : i32
    %dma_start3A_61 = tpu.memref_slice %arg7[%dma_start3A_59, %dma_start3A_60] : memref<64x128xf32, #tpu.memory_space<vmem_shared>> -> memref<64x128xf32, #tpu.memory_space<vmem_shared>>
    %dma_start3A_62 = tpu.memref_slice %arg8[%dma_start3A_51] : memref<5x!tpu.dma_semaphore, #tpu.memory_space<semaphore_mem>> -> memref<1x!tpu.dma_semaphore, #tpu.memory_space<semaphore_mem>>
    %dma_start3A_63 = tpu.memref_squeeze %dma_start3A_62 : memref<1x!tpu.dma_semaphore, #tpu.memory_space<semaphore_mem>> -> memref<!tpu.dma_semaphore, #tpu.memory_space<semaphore_mem>>
    tpu.enqueue_indirect_dma source(%dma_start3A_61 : memref<64x128xf32, #tpu.memory_space<vmem_shared>>) target(%dma_start3A_55 : memref<128x128xf32, #tpu.memory_space<vmem>>) offsets(%dma_start3A_58 : memref<128xi32, #tpu.memory_space<vmem>>) semaphore(%dma_start3A_63 : memref<!tpu.dma_semaphore, #tpu.memory_space<semaphore_mem>>)
    %dma_start3A_64 = arith.constant 4 : i32
    %dma_start3A_65 = arith.constant 4 : i32
    %dma_start3A_66 = arith.constant 4 : i32
    %dma_start3A_67 = arith.constant 0 : i32
    %dma_start3A_68 = arith.constant 0 : i32
    %dma_start3A_69 = tpu.memref_slice %arg6[%dma_start3A_65, %dma_start3A_67, %dma_start3A_68] : memref<5x128x128xf32, #tpu.memory_space<vmem>> -> memref<1x128x128xf32, #tpu.memory_space<vmem>>
    %dma_start3A_70 = tpu.memref_squeeze %dma_start3A_69 : memref<1x128x128xf32, #tpu.memory_space<vmem>> -> memref<128x128xf32, #tpu.memory_space<vmem>>
    %dma_start3A_71 = arith.constant 0 : i32
    %dma_start3A_72 = tpu.memref_slice %arg5[%dma_start3A_64, %dma_start3A_71] : memref<200x128xi32, #tpu.memory_space<vmem>> -> memref<1x128xi32, #tpu.memory_space<vmem>>
    %dma_start3A_73 = tpu.memref_squeeze %dma_start3A_72 : memref<1x128xi32, #tpu.memory_space<vmem>> -> memref<128xi32, #tpu.memory_space<vmem>>
    %dma_start3A_74 = arith.constant 0 : i32
    %dma_start3A_75 = arith.constant 0 : i32
    %dma_start3A_76 = tpu.memref_slice %arg7[%dma_start3A_74, %dma_start3A_75] : memref<64x128xf32, #tpu.memory_space<vmem_shared>> -> memref<64x128xf32, #tpu.memory_space<vmem_shared>>
    %dma_start3A_77 = tpu.memref_slice %arg8[%dma_start3A_66] : memref<5x!tpu.dma_semaphore, #tpu.memory_space<semaphore_mem>> -> memref<1x!tpu.dma_semaphore, #tpu.memory_space<semaphore_mem>>
    %dma_start3A_78 = tpu.memref_squeeze %dma_start3A_77 : memref<1x!tpu.dma_semaphore, #tpu.memory_space<semaphore_mem>> -> memref<!tpu.dma_semaphore, #tpu.memory_space<semaphore_mem>>
    tpu.enqueue_indirect_dma source(%dma_start3A_76 : memref<64x128xf32, #tpu.memory_space<vmem_shared>>) target(%dma_start3A_70 : memref<128x128xf32, #tpu.memory_space<vmem>>) offsets(%dma_start3A_73 : memref<128xi32, #tpu.memory_space<vmem>>) semaphore(%dma_start3A_78 : memref<!tpu.dma_semaphore, #tpu.memory_space<semaphore_mem>>)
    %scan3A = arith.constant 0 : i32
    %scan3A_79 = arith.constant 40 : i32
    %scan3A_80 = arith.addi %scan3A, %scan3A_79 : i32
    %scan3A_81 = arith.constant 1 : i32
    scf.for %scan3A_162 = %scan3A to %scan3A_80 step %scan3A_81  : i32 {
      %mul3A_163 = arith.constant 5 : i32
      %mul3A_164 = arith.muli %scan3A_162, %mul3A_163 : i32
      %add3A_165 = arith.constant 0 : i32
      %add3A_166 = arith.addi %mul3A_164, %add3A_165 : i32
      %dma_wait3A_167 = arith.constant 0 : i32
      %dma_wait3A_168 = arith.constant 0 : i32
      %dma_wait3A_169 = arith.constant 0 : i32
      %dma_wait3A_170 = arith.constant 0 : i32
      %dma_wait3A_171 = tpu.memref_slice %arg6[%dma_wait3A_167, %dma_wait3A_169, %dma_wait3A_170] : memref<5x128x128xf32, #tpu.memory_space<vmem>> -> memref<1x128x128xf32, #tpu.memory_space<vmem>>
      %dma_wait3A_172 = tpu.memref_squeeze %dma_wait3A_171 : memref<1x128x128xf32, #tpu.memory_space<vmem>> -> memref<128x128xf32, #tpu.memory_space<vmem>>
      %dma_wait3A_173 = arith.constant 0 : i32
      %dma_wait3A_174 = arith.constant 0 : i32
      %dma_wait3A_175 = tpu.memref_slice %arg4[%dma_wait3A_173, %dma_wait3A_174] : memref<819200x128xf32, #tpu.memory_space<hbm>> -> memref<128x128xf32, #tpu.memory_space<hbm>>
      %dma_wait3A_176 = tpu.memref_slice %arg8[%dma_wait3A_168] : memref<5x!tpu.dma_semaphore, #tpu.memory_space<semaphore_mem>> -> memref<1x!tpu.dma_semaphore, #tpu.memory_space<semaphore_mem>>
      %dma_wait3A_177 = tpu.memref_squeeze %dma_wait3A_176 : memref<1x!tpu.dma_semaphore, #tpu.memory_space<semaphore_mem>> -> memref<!tpu.dma_semaphore, #tpu.memory_space<semaphore_mem>>
      %dma_wait3A_178 = arith.constant 0 : i32
      %dma_wait3A_179 = arith.constant 0 : i32
      %dma_wait3A_180 = tpu.memref_slice %arg6[%dma_wait3A_167, %dma_wait3A_178, %dma_wait3A_179] : memref<5x128x128xf32, #tpu.memory_space<vmem>> -> memref<1x128x128xf32, #tpu.memory_space<vmem>>
      %dma_wait3A_181 = tpu.memref_squeeze %dma_wait3A_180 : memref<1x128x128xf32, #tpu.memory_space<vmem>> -> memref<128x128xf32, #tpu.memory_space<vmem>>
      %dma_wait3A_182 = arith.constant 0 : i32
      %dma_wait3A_183 = arith.constant 0 : i32
      %dma_wait3A_184 = tpu.memref_slice %arg4[%dma_wait3A_182, %dma_wait3A_183] : memref<819200x128xf32, #tpu.memory_space<hbm>> -> memref<128x128xf32, #tpu.memory_space<hbm>>
      tpu.wait_dma2 semaphore(%dma_wait3A_177 : memref<!tpu.dma_semaphore, #tpu.memory_space<semaphore_mem>>) src(%dma_wait3A_184 : memref<128x128xf32, #tpu.memory_space<hbm>>) dst(%dma_wait3A_181 : memref<128x128xf32, #tpu.memory_space<vmem>>)
      %mul3A_185 = arith.constant 128 : i32
      %mul3A_186 = arith.muli %add3A_166, %mul3A_185 : i32
      %add3A_187 = arith.addi %mul3A_2, %mul3A_186 : i32
      %dma_start3A_188 = arith.constant 0 : i32
      %dma_start3A_189 = arith.constant 0 : i32
      %dma_start3A_190 = arith.constant 0 : i32
      %dma_start3A_191 = arith.constant 0 : i32
      %dma_start3A_192 = tpu.memref_slice %arg6[%dma_start3A_188, %dma_start3A_190, %dma_start3A_191] : memref<5x128x128xf32, #tpu.memory_space<vmem>> -> memref<1x128x128xf32, #tpu.memory_space<vmem>>
      %dma_start3A_193 = tpu.memref_squeeze %dma_start3A_192 : memref<1x128x128xf32, #tpu.memory_space<vmem>> -> memref<128x128xf32, #tpu.memory_space<vmem>>
      %dma_start3A_194 = arith.constant 0 : i32
      %dma_start3A_195 = tpu.memref_slice %arg4[%add3A_187, %dma_start3A_194] : memref<819200x128xf32, #tpu.memory_space<hbm>> -> memref<128x128xf32, #tpu.memory_space<hbm>>
      %dma_start3A_196 = tpu.memref_slice %arg9[%dma_start3A_189] : memref<5x!tpu.dma_semaphore, #tpu.memory_space<semaphore_mem>> -> memref<1x!tpu.dma_semaphore, #tpu.memory_space<semaphore_mem>>
      %dma_start3A_197 = tpu.memref_squeeze %dma_start3A_196 : memref<1x!tpu.dma_semaphore, #tpu.memory_space<semaphore_mem>> -> memref<!tpu.dma_semaphore, #tpu.memory_space<semaphore_mem>>
      %dma_start3A_198 = arith.constant 0 : i32
      %dma_start3A_199 = tpu.memref_slice %arg4[%add3A_187, %dma_start3A_198] : memref<819200x128xf32, #tpu.memory_space<hbm>> -> memref<128x128xf32, #tpu.memory_space<hbm>>
      %dma_start3A_200 = arith.constant 0 : i32
      %dma_start3A_201 = arith.constant 0 : i32
      %dma_start3A_202 = tpu.memref_slice %arg6[%dma_start3A_188, %dma_start3A_200, %dma_start3A_201] : memref<5x128x128xf32, #tpu.memory_space<vmem>> -> memref<1x128x128xf32, #tpu.memory_space<vmem>>
      %dma_start3A_203 = tpu.memref_squeeze %dma_start3A_202 : memref<1x128x128xf32, #tpu.memory_space<vmem>> -> memref<128x128xf32, #tpu.memory_space<vmem>>
      tpu.enqueue_dma source(%dma_start3A_203 : memref<128x128xf32, #tpu.memory_space<vmem>>) target(%dma_start3A_199 : memref<128x128xf32, #tpu.memory_space<hbm>>) target_semaphore(%dma_start3A_197 : memref<!tpu.dma_semaphore, #tpu.memory_space<semaphore_mem>>)
      %add3A_204 = arith.constant 3 : i32
      %add3A_205 = arith.addi %add3A_166, %add3A_204 : i32
      %ge3A = arith.constant 5 : i32
      %ge3A_206 = arith.cmpi sge, %add3A_205, %ge3A : i32
      %lt3A = arith.constant 200 : i32
      %lt3A_207 = arith.cmpi slt, %add3A_205, %lt3A : i32
      %and3A = arith.andi %ge3A_206, %lt3A_207 : i1
      %convert_element_type3A_208 = arith.extui %and3A : i1 to i32
      %cond3A_209 = arith.constant 0 : i32
      %cond3A_210 = arith.cmpi ne, %convert_element_type3A_208, %cond3A_209 : i32
      scf.if %cond3A_210 {
        %dma_wait3A_415 = arith.constant 3 : i32
        %dma_wait3A_416 = arith.constant 3 : i32
        %dma_wait3A_417 = arith.constant 0 : i32
        %dma_wait3A_418 = arith.constant 0 : i32
        %dma_wait3A_419 = tpu.memref_slice %arg6[%dma_wait3A_415, %dma_wait3A_417, %dma_wait3A_418] : memref<5x128x128xf32, #tpu.memory_space<vmem>> -> memref<1x128x128xf32, #tpu.memory_space<vmem>>
        %dma_wait3A_420 = tpu.memref_squeeze %dma_wait3A_419 : memref<1x128x128xf32, #tpu.memory_space<vmem>> -> memref<128x128xf32, #tpu.memory_space<vmem>>
        %dma_wait3A_421 = arith.constant 0 : i32
        %dma_wait3A_422 = tpu.memref_slice %arg4[%mul3A_2, %dma_wait3A_421] : memref<819200x128xf32, #tpu.memory_space<hbm>> -> memref<128x128xf32, #tpu.memory_space<hbm>>
        %dma_wait3A_423 = tpu.memref_slice %arg9[%dma_wait3A_416] : memref<5x!tpu.dma_semaphore, #tpu.memory_space<semaphore_mem>> -> memref<1x!tpu.dma_semaphore, #tpu.memory_space<semaphore_mem>>
        %dma_wait3A_424 = tpu.memref_squeeze %dma_wait3A_423 : memref<1x!tpu.dma_semaphore, #tpu.memory_space<semaphore_mem>> -> memref<!tpu.dma_semaphore, #tpu.memory_space<semaphore_mem>>
        %dma_wait3A_425 = arith.constant 0 : i32
        %dma_wait3A_426 = tpu.memref_slice %arg4[%mul3A_2, %dma_wait3A_425] : memref<819200x128xf32, #tpu.memory_space<hbm>> -> memref<128x128xf32, #tpu.memory_space<hbm>>
        %dma_wait3A_427 = arith.constant 0 : i32
        %dma_wait3A_428 = arith.constant 0 : i32
        %dma_wait3A_429 = tpu.memref_slice %arg6[%dma_wait3A_415, %dma_wait3A_427, %dma_wait3A_428] : memref<5x128x128xf32, #tpu.memory_space<vmem>> -> memref<1x128x128xf32, #tpu.memory_space<vmem>>
        %dma_wait3A_430 = tpu.memref_squeeze %dma_wait3A_429 : memref<1x128x128xf32, #tpu.memory_space<vmem>> -> memref<128x128xf32, #tpu.memory_space<vmem>>
        tpu.wait_dma2 semaphore(%dma_wait3A_424 : memref<!tpu.dma_semaphore, #tpu.memory_space<semaphore_mem>>) src(%dma_wait3A_430 : memref<128x128xf32, #tpu.memory_space<vmem>>) dst(%dma_wait3A_426 : memref<128x128xf32, #tpu.memory_space<hbm>>)
        %dma_start3A_431 = arith.constant 3 : i32
        %dma_start3A_432 = arith.constant 3 : i32
        %dma_start3A_433 = arith.constant 0 : i32
        %dma_start3A_434 = arith.constant 0 : i32
        %dma_start3A_435 = tpu.memref_slice %arg6[%dma_start3A_431, %dma_start3A_433, %dma_start3A_434] : memref<5x128x128xf32, #tpu.memory_space<vmem>> -> memref<1x128x128xf32, #tpu.memory_space<vmem>>
        %dma_start3A_436 = tpu.memref_squeeze %dma_start3A_435 : memref<1x128x128xf32, #tpu.memory_space<vmem>> -> memref<128x128xf32, #tpu.memory_space<vmem>>
        %dma_start3A_437 = arith.constant 0 : i32
        %dma_start3A_438 = tpu.memref_slice %arg5[%add3A_205, %dma_start3A_437] : memref<200x128xi32, #tpu.memory_space<vmem>> -> memref<1x128xi32, #tpu.memory_space<vmem>>
        %dma_start3A_439 = tpu.memref_squeeze %dma_start3A_438 : memref<1x128xi32, #tpu.memory_space<vmem>> -> memref<128xi32, #tpu.memory_space<vmem>>
        %dma_start3A_440 = arith.constant 0 : i32
        %dma_start3A_441 = arith.constant 0 : i32
        %dma_start3A_442 = tpu.memref_slice %arg7[%dma_start3A_440, %dma_start3A_441] : memref<64x128xf32, #tpu.memory_space<vmem_shared>> -> memref<64x128xf32, #tpu.memory_space<vmem_shared>>
        %dma_start3A_443 = tpu.memref_slice %arg8[%dma_start3A_432] : memref<5x!tpu.dma_semaphore, #tpu.memory_space<semaphore_mem>> -> memref<1x!tpu.dma_semaphore, #tpu.memory_space<semaphore_mem>>
        %dma_start3A_444 = tpu.memref_squeeze %dma_start3A_443 : memref<1x!tpu.dma_semaphore, #tpu.memory_space<semaphore_mem>> -> memref<!tpu.dma_semaphore, #tpu.memory_space<semaphore_mem>>
        tpu.enqueue_indirect_dma source(%dma_start3A_442 : memref<64x128xf32, #tpu.memory_space<vmem_shared>>) target(%dma_start3A_436 : memref<128x128xf32, #tpu.memory_space<vmem>>) offsets(%dma_start3A_439 : memref<128xi32, #tpu.memory_space<vmem>>) semaphore(%dma_start3A_444 : memref<!tpu.dma_semaphore, #tpu.memory_space<semaphore_mem>>)
      } else {
      }
      %mul3A_211 = arith.constant 5 : i32
      %mul3A_212 = arith.muli %scan3A_162, %mul3A_211 : i32
      %add3A_213 = arith.constant 1 : i32
      %add3A_214 = arith.addi %mul3A_212, %add3A_213 : i32
      %dma_wait3A_215 = arith.constant 1 : i32
      %dma_wait3A_216 = arith.constant 1 : i32
      %dma_wait3A_217 = arith.constant 0 : i32
      %dma_wait3A_218 = arith.constant 0 : i32
      %dma_wait3A_219 = tpu.memref_slice %arg6[%dma_wait3A_215, %dma_wait3A_217, %dma_wait3A_218] : memref<5x128x128xf32, #tpu.memory_space<vmem>> -> memref<1x128x128xf32, #tpu.memory_space<vmem>>
      %dma_wait3A_220 = tpu.memref_squeeze %dma_wait3A_219 : memref<1x128x128xf32, #tpu.memory_space<vmem>> -> memref<128x128xf32, #tpu.memory_space<vmem>>
      %dma_wait3A_221 = arith.constant 0 : i32
      %dma_wait3A_222 = arith.constant 0 : i32
      %dma_wait3A_223 = tpu.memref_slice %arg4[%dma_wait3A_221, %dma_wait3A_222] : memref<819200x128xf32, #tpu.memory_space<hbm>> -> memref<128x128xf32, #tpu.memory_space<hbm>>
      %dma_wait3A_224 = tpu.memref_slice %arg8[%dma_wait3A_216] : memref<5x!tpu.dma_semaphore, #tpu.memory_space<semaphore_mem>> -> memref<1x!tpu.dma_semaphore, #tpu.memory_space<semaphore_mem>>
      %dma_wait3A_225 = tpu.memref_squeeze %dma_wait3A_224 : memref<1x!tpu.dma_semaphore, #tpu.memory_space<semaphore_mem>> -> memref<!tpu.dma_semaphore, #tpu.memory_space<semaphore_mem>>
      %dma_wait3A_226 = arith.constant 0 : i32
      %dma_wait3A_227 = arith.constant 0 : i32
      %dma_wait3A_228 = tpu.memref_slice %arg6[%dma_wait3A_215, %dma_wait3A_226, %dma_wait3A_227] : memref<5x128x128xf32, #tpu.memory_space<vmem>> -> memref<1x128x128xf32, #tpu.memory_space<vmem>>
      %dma_wait3A_229 = tpu.memref_squeeze %dma_wait3A_228 : memref<1x128x128xf32, #tpu.memory_space<vmem>> -> memref<128x128xf32, #tpu.memory_space<vmem>>
      %dma_wait3A_230 = arith.constant 0 : i32
      %dma_wait3A_231 = arith.constant 0 : i32
      %dma_wait3A_232 = tpu.memref_slice %arg4[%dma_wait3A_230, %dma_wait3A_231] : memref<819200x128xf32, #tpu.memory_space<hbm>> -> memref<128x128xf32, #tpu.memory_space<hbm>>
      tpu.wait_dma2 semaphore(%dma_wait3A_225 : memref<!tpu.dma_semaphore, #tpu.memory_space<semaphore_mem>>) src(%dma_wait3A_232 : memref<128x128xf32, #tpu.memory_space<hbm>>) dst(%dma_wait3A_229 : memref<128x128xf32, #tpu.memory_space<vmem>>)
      %mul3A_233 = arith.constant 128 : i32
      %mul3A_234 = arith.muli %add3A_214, %mul3A_233 : i32
      %add3A_235 = arith.addi %mul3A_2, %mul3A_234 : i32
      %dma_start3A_236 = arith.constant 1 : i32
      %dma_start3A_237 = arith.constant 1 : i32
      %dma_start3A_238 = arith.constant 0 : i32
      %dma_start3A_239 = arith.constant 0 : i32
      %dma_start3A_240 = tpu.memref_slice %arg6[%dma_start3A_236, %dma_start3A_238, %dma_start3A_239] : memref<5x128x128xf32, #tpu.memory_space<vmem>> -> memref<1x128x128xf32, #tpu.memory_space<vmem>>
      %dma_start3A_241 = tpu.memref_squeeze %dma_start3A_240 : memref<1x128x128xf32, #tpu.memory_space<vmem>> -> memref<128x128xf32, #tpu.memory_space<vmem>>
      %dma_start3A_242 = arith.constant 0 : i32
      %dma_start3A_243 = tpu.memref_slice %arg4[%add3A_235, %dma_start3A_242] : memref<819200x128xf32, #tpu.memory_space<hbm>> -> memref<128x128xf32, #tpu.memory_space<hbm>>
      %dma_start3A_244 = tpu.memref_slice %arg9[%dma_start3A_237] : memref<5x!tpu.dma_semaphore, #tpu.memory_space<semaphore_mem>> -> memref<1x!tpu.dma_semaphore, #tpu.memory_space<semaphore_mem>>
      %dma_start3A_245 = tpu.memref_squeeze %dma_start3A_244 : memref<1x!tpu.dma_semaphore, #tpu.memory_space<semaphore_mem>> -> memref<!tpu.dma_semaphore, #tpu.memory_space<semaphore_mem>>
      %dma_start3A_246 = arith.constant 0 : i32
      %dma_start3A_247 = tpu.memref_slice %arg4[%add3A_235, %dma_start3A_246] : memref<819200x128xf32, #tpu.memory_space<hbm>> -> memref<128x128xf32, #tpu.memory_space<hbm>>
      %dma_start3A_248 = arith.constant 0 : i32
      %dma_start3A_249 = arith.constant 0 : i32
      %dma_start3A_250 = tpu.memref_slice %arg6[%dma_start3A_236, %dma_start3A_248, %dma_start3A_249] : memref<5x128x128xf32, #tpu.memory_space<vmem>> -> memref<1x128x128xf32, #tpu.memory_space<vmem>>
      %dma_start3A_251 = tpu.memref_squeeze %dma_start3A_250 : memref<1x128x128xf32, #tpu.memory_space<vmem>> -> memref<128x128xf32, #tpu.memory_space<vmem>>
      tpu.enqueue_dma source(%dma_start3A_251 : memref<128x128xf32, #tpu.memory_space<vmem>>) target(%dma_start3A_247 : memref<128x128xf32, #tpu.memory_space<hbm>>) target_semaphore(%dma_start3A_245 : memref<!tpu.dma_semaphore, #tpu.memory_space<semaphore_mem>>)
      %add3A_252 = arith.constant 3 : i32
      %add3A_253 = arith.addi %add3A_214, %add3A_252 : i32
      %ge3A_254 = arith.constant 5 : i32
      %ge3A_255 = arith.cmpi sge, %add3A_253, %ge3A_254 : i32
      %lt3A_256 = arith.constant 200 : i32
      %lt3A_257 = arith.cmpi slt, %add3A_253, %lt3A_256 : i32
      %and3A_258 = arith.andi %ge3A_255, %lt3A_257 : i1
      %convert_element_type3A_259 = arith.extui %and3A_258 : i1 to i32
      %cond3A_260 = arith.constant 0 : i32
      %cond3A_261 = arith.cmpi ne, %convert_element_type3A_259, %cond3A_260 : i32
      scf.if %cond3A_261 {
        %dma_wait3A_415 = arith.constant 4 : i32
        %dma_wait3A_416 = arith.constant 4 : i32
        %dma_wait3A_417 = arith.constant 0 : i32
        %dma_wait3A_418 = arith.constant 0 : i32
        %dma_wait3A_419 = tpu.memref_slice %arg6[%dma_wait3A_415, %dma_wait3A_417, %dma_wait3A_418] : memref<5x128x128xf32, #tpu.memory_space<vmem>> -> memref<1x128x128xf32, #tpu.memory_space<vmem>>
        %dma_wait3A_420 = tpu.memref_squeeze %dma_wait3A_419 : memref<1x128x128xf32, #tpu.memory_space<vmem>> -> memref<128x128xf32, #tpu.memory_space<vmem>>
        %dma_wait3A_421 = arith.constant 0 : i32
        %dma_wait3A_422 = tpu.memref_slice %arg4[%mul3A_2, %dma_wait3A_421] : memref<819200x128xf32, #tpu.memory_space<hbm>> -> memref<128x128xf32, #tpu.memory_space<hbm>>
        %dma_wait3A_423 = tpu.memref_slice %arg9[%dma_wait3A_416] : memref<5x!tpu.dma_semaphore, #tpu.memory_space<semaphore_mem>> -> memref<1x!tpu.dma_semaphore, #tpu.memory_space<semaphore_mem>>
        %dma_wait3A_424 = tpu.memref_squeeze %dma_wait3A_423 : memref<1x!tpu.dma_semaphore, #tpu.memory_space<semaphore_mem>> -> memref<!tpu.dma_semaphore, #tpu.memory_space<semaphore_mem>>
        %dma_wait3A_425 = arith.constant 0 : i32
        %dma_wait3A_426 = tpu.memref_slice %arg4[%mul3A_2, %dma_wait3A_425] : memref<819200x128xf32, #tpu.memory_space<hbm>> -> memref<128x128xf32, #tpu.memory_space<hbm>>
        %dma_wait3A_427 = arith.constant 0 : i32
        %dma_wait3A_428 = arith.constant 0 : i32
        %dma_wait3A_429 = tpu.memref_slice %arg6[%dma_wait3A_415, %dma_wait3A_427, %dma_wait3A_428] : memref<5x128x128xf32, #tpu.memory_space<vmem>> -> memref<1x128x128xf32, #tpu.memory_space<vmem>>
        %dma_wait3A_430 = tpu.memref_squeeze %dma_wait3A_429 : memref<1x128x128xf32, #tpu.memory_space<vmem>> -> memref<128x128xf32, #tpu.memory_space<vmem>>
        tpu.wait_dma2 semaphore(%dma_wait3A_424 : memref<!tpu.dma_semaphore, #tpu.memory_space<semaphore_mem>>) src(%dma_wait3A_430 : memref<128x128xf32, #tpu.memory_space<vmem>>) dst(%dma_wait3A_426 : memref<128x128xf32, #tpu.memory_space<hbm>>)
        %dma_start3A_431 = arith.constant 4 : i32
        %dma_start3A_432 = arith.constant 4 : i32
        %dma_start3A_433 = arith.constant 0 : i32
        %dma_start3A_434 = arith.constant 0 : i32
        %dma_start3A_435 = tpu.memref_slice %arg6[%dma_start3A_431, %dma_start3A_433, %dma_start3A_434] : memref<5x128x128xf32, #tpu.memory_space<vmem>> -> memref<1x128x128xf32, #tpu.memory_space<vmem>>
        %dma_start3A_436 = tpu.memref_squeeze %dma_start3A_435 : memref<1x128x128xf32, #tpu.memory_space<vmem>> -> memref<128x128xf32, #tpu.memory_space<vmem>>
        %dma_start3A_437 = arith.constant 0 : i32
        %dma_start3A_438 = tpu.memref_slice %arg5[%add3A_253, %dma_start3A_437] : memref<200x128xi32, #tpu.memory_space<vmem>> -> memref<1x128xi32, #tpu.memory_space<vmem>>
        %dma_start3A_439 = tpu.memref_squeeze %dma_start3A_438 : memref<1x128xi32, #tpu.memory_space<vmem>> -> memref<128xi32, #tpu.memory_space<vmem>>
        %dma_start3A_440 = arith.constant 0 : i32
        %dma_start3A_441 = arith.constant 0 : i32
        %dma_start3A_442 = tpu.memref_slice %arg7[%dma_start3A_440, %dma_start3A_441] : memref<64x128xf32, #tpu.memory_space<vmem_shared>> -> memref<64x128xf32, #tpu.memory_space<vmem_shared>>
        %dma_start3A_443 = tpu.memref_slice %arg8[%dma_start3A_432] : memref<5x!tpu.dma_semaphore, #tpu.memory_space<semaphore_mem>> -> memref<1x!tpu.dma_semaphore, #tpu.memory_space<semaphore_mem>>
        %dma_start3A_444 = tpu.memref_squeeze %dma_start3A_443 : memref<1x!tpu.dma_semaphore, #tpu.memory_space<semaphore_mem>> -> memref<!tpu.dma_semaphore, #tpu.memory_space<semaphore_mem>>
        tpu.enqueue_indirect_dma source(%dma_start3A_442 : memref<64x128xf32, #tpu.memory_space<vmem_shared>>) target(%dma_start3A_436 : memref<128x128xf32, #tpu.memory_space<vmem>>) offsets(%dma_start3A_439 : memref<128xi32, #tpu.memory_space<vmem>>) semaphore(%dma_start3A_444 : memref<!tpu.dma_semaphore, #tpu.memory_space<semaphore_mem>>)
      } else {
      }
      %mul3A_262 = arith.constant 5 : i32
      %mul3A_263 = arith.muli %scan3A_162, %mul3A_262 : i32
      %add3A_264 = arith.constant 2 : i32
      %add3A_265 = arith.addi %mul3A_263, %add3A_264 : i32
      %dma_wait3A_266 = arith.constant 2 : i32
      %dma_wait3A_267 = arith.constant 2 : i32
      %dma_wait3A_268 = arith.constant 0 : i32
      %dma_wait3A_269 = arith.constant 0 : i32
      %dma_wait3A_270 = tpu.memref_slice %arg6[%dma_wait3A_266, %dma_wait3A_268, %dma_wait3A_269] : memref<5x128x128xf32, #tpu.memory_space<vmem>> -> memref<1x128x128xf32, #tpu.memory_space<vmem>>
      %dma_wait3A_271 = tpu.memref_squeeze %dma_wait3A_270 : memref<1x128x128xf32, #tpu.memory_space<vmem>> -> memref<128x128xf32, #tpu.memory_space<vmem>>
      %dma_wait3A_272 = arith.constant 0 : i32
      %dma_wait3A_273 = arith.constant 0 : i32
      %dma_wait3A_274 = tpu.memref_slice %arg4[%dma_wait3A_272, %dma_wait3A_273] : memref<819200x128xf32, #tpu.memory_space<hbm>> -> memref<128x128xf32, #tpu.memory_space<hbm>>
      %dma_wait3A_275 = tpu.memref_slice %arg8[%dma_wait3A_267] : memref<5x!tpu.dma_semaphore, #tpu.memory_space<semaphore_mem>> -> memref<1x!tpu.dma_semaphore, #tpu.memory_space<semaphore_mem>>
      %dma_wait3A_276 = tpu.memref_squeeze %dma_wait3A_275 : memref<1x!tpu.dma_semaphore, #tpu.memory_space<semaphore_mem>> -> memref<!tpu.dma_semaphore, #tpu.memory_space<semaphore_mem>>
      %dma_wait3A_277 = arith.constant 0 : i32
      %dma_wait3A_278 = arith.constant 0 : i32
      %dma_wait3A_279 = tpu.memref_slice %arg6[%dma_wait3A_266, %dma_wait3A_277, %dma_wait3A_278] : memref<5x128x128xf32, #tpu.memory_space<vmem>> -> memref<1x128x128xf32, #tpu.memory_space<vmem>>
      %dma_wait3A_280 = tpu.memref_squeeze %dma_wait3A_279 : memref<1x128x128xf32, #tpu.memory_space<vmem>> -> memref<128x128xf32, #tpu.memory_space<vmem>>
      %dma_wait3A_281 = arith.constant 0 : i32
      %dma_wait3A_282 = arith.constant 0 : i32
      %dma_wait3A_283 = tpu.memref_slice %arg4[%dma_wait3A_281, %dma_wait3A_282] : memref<819200x128xf32, #tpu.memory_space<hbm>> -> memref<128x128xf32, #tpu.memory_space<hbm>>
      tpu.wait_dma2 semaphore(%dma_wait3A_276 : memref<!tpu.dma_semaphore, #tpu.memory_space<semaphore_mem>>) src(%dma_wait3A_283 : memref<128x128xf32, #tpu.memory_space<hbm>>) dst(%dma_wait3A_280 : memref<128x128xf32, #tpu.memory_space<vmem>>)
      %mul3A_284 = arith.constant 128 : i32
      %mul3A_285 = arith.muli %add3A_265, %mul3A_284 : i32
      %add3A_286 = arith.addi %mul3A_2, %mul3A_285 : i32
      %dma_start3A_287 = arith.constant 2 : i32
      %dma_start3A_288 = arith.constant 2 : i32
      %dma_start3A_289 = arith.constant 0 : i32
      %dma_start3A_290 = arith.constant 0 : i32
      %dma_start3A_291 = tpu.memref_slice %arg6[%dma_start3A_287, %dma_start3A_289, %dma_start3A_290] : memref<5x128x128xf32, #tpu.memory_space<vmem>> -> memref<1x128x128xf32, #tpu.memory_space<vmem>>
      %dma_start3A_292 = tpu.memref_squeeze %dma_start3A_291 : memref<1x128x128xf32, #tpu.memory_space<vmem>> -> memref<128x128xf32, #tpu.memory_space<vmem>>
      %dma_start3A_293 = arith.constant 0 : i32
      %dma_start3A_294 = tpu.memref_slice %arg4[%add3A_286, %dma_start3A_293] : memref<819200x128xf32, #tpu.memory_space<hbm>> -> memref<128x128xf32, #tpu.memory_space<hbm>>
      %dma_start3A_295 = tpu.memref_slice %arg9[%dma_start3A_288] : memref<5x!tpu.dma_semaphore, #tpu.memory_space<semaphore_mem>> -> memref<1x!tpu.dma_semaphore, #tpu.memory_space<semaphore_mem>>
      %dma_start3A_296 = tpu.memref_squeeze %dma_start3A_295 : memref<1x!tpu.dma_semaphore, #tpu.memory_space<semaphore_mem>> -> memref<!tpu.dma_semaphore, #tpu.memory_space<semaphore_mem>>
      %dma_start3A_297 = arith.constant 0 : i32
      %dma_start3A_298 = tpu.memref_slice %arg4[%add3A_286, %dma_start3A_297] : memref<819200x128xf32, #tpu.memory_space<hbm>> -> memref<128x128xf32, #tpu.memory_space<hbm>>
      %dma_start3A_299 = arith.constant 0 : i32
      %dma_start3A_300 = arith.constant 0 : i32
      %dma_start3A_301 = tpu.memref_slice %arg6[%dma_start3A_287, %dma_start3A_299, %dma_start3A_300] : memref<5x128x128xf32, #tpu.memory_space<vmem>> -> memref<1x128x128xf32, #tpu.memory_space<vmem>>
      %dma_start3A_302 = tpu.memref_squeeze %dma_start3A_301 : memref<1x128x128xf32, #tpu.memory_space<vmem>> -> memref<128x128xf32, #tpu.memory_space<vmem>>
      tpu.enqueue_dma source(%dma_start3A_302 : memref<128x128xf32, #tpu.memory_space<vmem>>) target(%dma_start3A_298 : memref<128x128xf32, #tpu.memory_space<hbm>>) target_semaphore(%dma_start3A_296 : memref<!tpu.dma_semaphore, #tpu.memory_space<semaphore_mem>>)
      %add3A_303 = arith.constant 3 : i32
      %add3A_304 = arith.addi %add3A_265, %add3A_303 : i32
      %ge3A_305 = arith.constant 5 : i32
      %ge3A_306 = arith.cmpi sge, %add3A_304, %ge3A_305 : i32
      %lt3A_307 = arith.constant 200 : i32
      %lt3A_308 = arith.cmpi slt, %add3A_304, %lt3A_307 : i32
      %and3A_309 = arith.andi %ge3A_306, %lt3A_308 : i1
      %convert_element_type3A_310 = arith.extui %and3A_309 : i1 to i32
      %cond3A_311 = arith.constant 0 : i32
      %cond3A_312 = arith.cmpi ne, %convert_element_type3A_310, %cond3A_311 : i32
      scf.if %cond3A_312 {
        %dma_wait3A_415 = arith.constant 0 : i32
        %dma_wait3A_416 = arith.constant 0 : i32
        %dma_wait3A_417 = arith.constant 0 : i32
        %dma_wait3A_418 = arith.constant 0 : i32
        %dma_wait3A_419 = tpu.memref_slice %arg6[%dma_wait3A_415, %dma_wait3A_417, %dma_wait3A_418] : memref<5x128x128xf32, #tpu.memory_space<vmem>> -> memref<1x128x128xf32, #tpu.memory_space<vmem>>
        %dma_wait3A_420 = tpu.memref_squeeze %dma_wait3A_419 : memref<1x128x128xf32, #tpu.memory_space<vmem>> -> memref<128x128xf32, #tpu.memory_space<vmem>>
        %dma_wait3A_421 = arith.constant 0 : i32
        %dma_wait3A_422 = tpu.memref_slice %arg4[%mul3A_2, %dma_wait3A_421] : memref<819200x128xf32, #tpu.memory_space<hbm>> -> memref<128x128xf32, #tpu.memory_space<hbm>>
        %dma_wait3A_423 = tpu.memref_slice %arg9[%dma_wait3A_416] : memref<5x!tpu.dma_semaphore, #tpu.memory_space<semaphore_mem>> -> memref<1x!tpu.dma_semaphore, #tpu.memory_space<semaphore_mem>>
        %dma_wait3A_424 = tpu.memref_squeeze %dma_wait3A_423 : memref<1x!tpu.dma_semaphore, #tpu.memory_space<semaphore_mem>> -> memref<!tpu.dma_semaphore, #tpu.memory_space<semaphore_mem>>
        %dma_wait3A_425 = arith.constant 0 : i32
        %dma_wait3A_426 = tpu.memref_slice %arg4[%mul3A_2, %dma_wait3A_425] : memref<819200x128xf32, #tpu.memory_space<hbm>> -> memref<128x128xf32, #tpu.memory_space<hbm>>
        %dma_wait3A_427 = arith.constant 0 : i32
        %dma_wait3A_428 = arith.constant 0 : i32
        %dma_wait3A_429 = tpu.memref_slice %arg6[%dma_wait3A_415, %dma_wait3A_427, %dma_wait3A_428] : memref<5x128x128xf32, #tpu.memory_space<vmem>> -> memref<1x128x128xf32, #tpu.memory_space<vmem>>
        %dma_wait3A_430 = tpu.memref_squeeze %dma_wait3A_429 : memref<1x128x128xf32, #tpu.memory_space<vmem>> -> memref<128x128xf32, #tpu.memory_space<vmem>>
        tpu.wait_dma2 semaphore(%dma_wait3A_424 : memref<!tpu.dma_semaphore, #tpu.memory_space<semaphore_mem>>) src(%dma_wait3A_430 : memref<128x128xf32, #tpu.memory_space<vmem>>) dst(%dma_wait3A_426 : memref<128x128xf32, #tpu.memory_space<hbm>>)
        %dma_start3A_431 = arith.constant 0 : i32
        %dma_start3A_432 = arith.constant 0 : i32
        %dma_start3A_433 = arith.constant 0 : i32
        %dma_start3A_434 = arith.constant 0 : i32
        %dma_start3A_435 = tpu.memref_slice %arg6[%dma_start3A_431, %dma_start3A_433, %dma_start3A_434] : memref<5x128x128xf32, #tpu.memory_space<vmem>> -> memref<1x128x128xf32, #tpu.memory_space<vmem>>
        %dma_start3A_436 = tpu.memref_squeeze %dma_start3A_435 : memref<1x128x128xf32, #tpu.memory_space<vmem>> -> memref<128x128xf32, #tpu.memory_space<vmem>>
        %dma_start3A_437 = arith.constant 0 : i32
        %dma_start3A_438 = tpu.memref_slice %arg5[%add3A_304, %dma_start3A_437] : memref<200x128xi32, #tpu.memory_space<vmem>> -> memref<1x128xi32, #tpu.memory_space<vmem>>
        %dma_start3A_439 = tpu.memref_squeeze %dma_start3A_438 : memref<1x128xi32, #tpu.memory_space<vmem>> -> memref<128xi32, #tpu.memory_space<vmem>>
        %dma_start3A_440 = arith.constant 0 : i32
        %dma_start3A_441 = arith.constant 0 : i32
        %dma_start3A_442 = tpu.memref_slice %arg7[%dma_start3A_440, %dma_start3A_441] : memref<64x128xf32, #tpu.memory_space<vmem_shared>> -> memref<64x128xf32, #tpu.memory_space<vmem_shared>>
        %dma_start3A_443 = tpu.memref_slice %arg8[%dma_start3A_432] : memref<5x!tpu.dma_semaphore, #tpu.memory_space<semaphore_mem>> -> memref<1x!tpu.dma_semaphore, #tpu.memory_space<semaphore_mem>>
        %dma_start3A_444 = tpu.memref_squeeze %dma_start3A_443 : memref<1x!tpu.dma_semaphore, #tpu.memory_space<semaphore_mem>> -> memref<!tpu.dma_semaphore, #tpu.memory_space<semaphore_mem>>
        tpu.enqueue_indirect_dma source(%dma_start3A_442 : memref<64x128xf32, #tpu.memory_space<vmem_shared>>) target(%dma_start3A_436 : memref<128x128xf32, #tpu.memory_space<vmem>>) offsets(%dma_start3A_439 : memref<128xi32, #tpu.memory_space<vmem>>) semaphore(%dma_start3A_444 : memref<!tpu.dma_semaphore, #tpu.memory_space<semaphore_mem>>)
      } else {
      }
      %mul3A_313 = arith.constant 5 : i32
      %mul3A_314 = arith.muli %scan3A_162, %mul3A_313 : i32
      %add3A_315 = arith.constant 3 : i32
      %add3A_316 = arith.addi %mul3A_314, %add3A_315 : i32
      %dma_wait3A_317 = arith.constant 3 : i32
      %dma_wait3A_318 = arith.constant 3 : i32
      %dma_wait3A_319 = arith.constant 0 : i32
      %dma_wait3A_320 = arith.constant 0 : i32
      %dma_wait3A_321 = tpu.memref_slice %arg6[%dma_wait3A_317, %dma_wait3A_319, %dma_wait3A_320] : memref<5x128x128xf32, #tpu.memory_space<vmem>> -> memref<1x128x128xf32, #tpu.memory_space<vmem>>
      %dma_wait3A_322 = tpu.memref_squeeze %dma_wait3A_321 : memref<1x128x128xf32, #tpu.memory_space<vmem>> -> memref<128x128xf32, #tpu.memory_space<vmem>>
      %dma_wait3A_323 = arith.constant 0 : i32
      %dma_wait3A_324 = arith.constant 0 : i32
      %dma_wait3A_325 = tpu.memref_slice %arg4[%dma_wait3A_323, %dma_wait3A_324] : memref<819200x128xf32, #tpu.memory_space<hbm>> -> memref<128x128xf32, #tpu.memory_space<hbm>>
      %dma_wait3A_326 = tpu.memref_slice %arg8[%dma_wait3A_318] : memref<5x!tpu.dma_semaphore, #tpu.memory_space<semaphore_mem>> -> memref<1x!tpu.dma_semaphore, #tpu.memory_space<semaphore_mem>>
      %dma_wait3A_327 = tpu.memref_squeeze %dma_wait3A_326 : memref<1x!tpu.dma_semaphore, #tpu.memory_space<semaphore_mem>> -> memref<!tpu.dma_semaphore, #tpu.memory_space<semaphore_mem>>
      %dma_wait3A_328 = arith.constant 0 : i32
      %dma_wait3A_329 = arith.constant 0 : i32
      %dma_wait3A_330 = tpu.memref_slice %arg6[%dma_wait3A_317, %dma_wait3A_328, %dma_wait3A_329] : memref<5x128x128xf32, #tpu.memory_space<vmem>> -> memref<1x128x128xf32, #tpu.memory_space<vmem>>
      %dma_wait3A_331 = tpu.memref_squeeze %dma_wait3A_330 : memref<1x128x128xf32, #tpu.memory_space<vmem>> -> memref<128x128xf32, #tpu.memory_space<vmem>>
      %dma_wait3A_332 = arith.constant 0 : i32
      %dma_wait3A_333 = arith.constant 0 : i32
      %dma_wait3A_334 = tpu.memref_slice %arg4[%dma_wait3A_332, %dma_wait3A_333] : memref<819200x128xf32, #tpu.memory_space<hbm>> -> memref<128x128xf32, #tpu.memory_space<hbm>>
      tpu.wait_dma2 semaphore(%dma_wait3A_327 : memref<!tpu.dma_semaphore, #tpu.memory_space<semaphore_mem>>) src(%dma_wait3A_334 : memref<128x128xf32, #tpu.memory_space<hbm>>) dst(%dma_wait3A_331 : memref<128x128xf32, #tpu.memory_space<vmem>>)
      %mul3A_335 = arith.constant 128 : i32
      %mul3A_336 = arith.muli %add3A_316, %mul3A_335 : i32
      %add3A_337 = arith.addi %mul3A_2, %mul3A_336 : i32
      %dma_start3A_338 = arith.constant 3 : i32
      %dma_start3A_339 = arith.constant 3 : i32
      %dma_start3A_340 = arith.constant 0 : i32
      %dma_start3A_341 = arith.constant 0 : i32
      %dma_start3A_342 = tpu.memref_slice %arg6[%dma_start3A_338, %dma_start3A_340, %dma_start3A_341] : memref<5x128x128xf32, #tpu.memory_space<vmem>> -> memref<1x128x128xf32, #tpu.memory_space<vmem>>
      %dma_start3A_343 = tpu.memref_squeeze %dma_start3A_342 : memref<1x128x128xf32, #tpu.memory_space<vmem>> -> memref<128x128xf32, #tpu.memory_space<vmem>>
      %dma_start3A_344 = arith.constant 0 : i32
      %dma_start3A_345 = tpu.memref_slice %arg4[%add3A_337, %dma_start3A_344] : memref<819200x128xf32, #tpu.memory_space<hbm>> -> memref<128x128xf32, #tpu.memory_space<hbm>>
      %dma_start3A_346 = tpu.memref_slice %arg9[%dma_start3A_339] : memref<5x!tpu.dma_semaphore, #tpu.memory_space<semaphore_mem>> -> memref<1x!tpu.dma_semaphore, #tpu.memory_space<semaphore_mem>>
      %dma_start3A_347 = tpu.memref_squeeze %dma_start3A_346 : memref<1x!tpu.dma_semaphore, #tpu.memory_space<semaphore_mem>> -> memref<!tpu.dma_semaphore, #tpu.memory_space<semaphore_mem>>
      %dma_start3A_348 = arith.constant 0 : i32
      %dma_start3A_349 = tpu.memref_slice %arg4[%add3A_337, %dma_start3A_348] : memref<819200x128xf32, #tpu.memory_space<hbm>> -> memref<128x128xf32, #tpu.memory_space<hbm>>
      %dma_start3A_350 = arith.constant 0 : i32
      %dma_start3A_351 = arith.constant 0 : i32
      %dma_start3A_352 = tpu.memref_slice %arg6[%dma_start3A_338, %dma_start3A_350, %dma_start3A_351] : memref<5x128x128xf32, #tpu.memory_space<vmem>> -> memref<1x128x128xf32, #tpu.memory_space<vmem>>
      %dma_start3A_353 = tpu.memref_squeeze %dma_start3A_352 : memref<1x128x128xf32, #tpu.memory_space<vmem>> -> memref<128x128xf32, #tpu.memory_space<vmem>>
      tpu.enqueue_dma source(%dma_start3A_353 : memref<128x128xf32, #tpu.memory_space<vmem>>) target(%dma_start3A_349 : memref<128x128xf32, #tpu.memory_space<hbm>>) target_semaphore(%dma_start3A_347 : memref<!tpu.dma_semaphore, #tpu.memory_space<semaphore_mem>>)
      %add3A_354 = arith.constant 3 : i32
      %add3A_355 = arith.addi %add3A_316, %add3A_354 : i32
      %ge3A_356 = arith.constant 5 : i32
      %ge3A_357 = arith.cmpi sge, %add3A_355, %ge3A_356 : i32
      %lt3A_358 = arith.constant 200 : i32
      %lt3A_359 = arith.cmpi slt, %add3A_355, %lt3A_358 : i32
      %and3A_360 = arith.andi %ge3A_357, %lt3A_359 : i1
      %convert_element_type3A_361 = arith.extui %and3A_360 : i1 to i32
      %cond3A_362 = arith.constant 0 : i32
      %cond3A_363 = arith.cmpi ne, %convert_element_type3A_361, %cond3A_362 : i32
      scf.if %cond3A_363 {
        %dma_wait3A_415 = arith.constant 1 : i32
        %dma_wait3A_416 = arith.constant 1 : i32
        %dma_wait3A_417 = arith.constant 0 : i32
        %dma_wait3A_418 = arith.constant 0 : i32
        %dma_wait3A_419 = tpu.memref_slice %arg6[%dma_wait3A_415, %dma_wait3A_417, %dma_wait3A_418] : memref<5x128x128xf32, #tpu.memory_space<vmem>> -> memref<1x128x128xf32, #tpu.memory_space<vmem>>
        %dma_wait3A_420 = tpu.memref_squeeze %dma_wait3A_419 : memref<1x128x128xf32, #tpu.memory_space<vmem>> -> memref<128x128xf32, #tpu.memory_space<vmem>>
        %dma_wait3A_421 = arith.constant 0 : i32
        %dma_wait3A_422 = tpu.memref_slice %arg4[%mul3A_2, %dma_wait3A_421] : memref<819200x128xf32, #tpu.memory_space<hbm>> -> memref<128x128xf32, #tpu.memory_space<hbm>>
        %dma_wait3A_423 = tpu.memref_slice %arg9[%dma_wait3A_416] : memref<5x!tpu.dma_semaphore, #tpu.memory_space<semaphore_mem>> -> memref<1x!tpu.dma_semaphore, #tpu.memory_space<semaphore_mem>>
        %dma_wait3A_424 = tpu.memref_squeeze %dma_wait3A_423 : memref<1x!tpu.dma_semaphore, #tpu.memory_space<semaphore_mem>> -> memref<!tpu.dma_semaphore, #tpu.memory_space<semaphore_mem>>
        %dma_wait3A_425 = arith.constant 0 : i32
        %dma_wait3A_426 = tpu.memref_slice %arg4[%mul3A_2, %dma_wait3A_425] : memref<819200x128xf32, #tpu.memory_space<hbm>> -> memref<128x128xf32, #tpu.memory_space<hbm>>
        %dma_wait3A_427 = arith.constant 0 : i32
        %dma_wait3A_428 = arith.constant 0 : i32
        %dma_wait3A_429 = tpu.memref_slice %arg6[%dma_wait3A_415, %dma_wait3A_427, %dma_wait3A_428] : memref<5x128x128xf32, #tpu.memory_space<vmem>> -> memref<1x128x128xf32, #tpu.memory_space<vmem>>
        %dma_wait3A_430 = tpu.memref_squeeze %dma_wait3A_429 : memref<1x128x128xf32, #tpu.memory_space<vmem>> -> memref<128x128xf32, #tpu.memory_space<vmem>>
        tpu.wait_dma2 semaphore(%dma_wait3A_424 : memref<!tpu.dma_semaphore, #tpu.memory_space<semaphore_mem>>) src(%dma_wait3A_430 : memref<128x128xf32, #tpu.memory_space<vmem>>) dst(%dma_wait3A_426 : memref<128x128xf32, #tpu.memory_space<hbm>>)
        %dma_start3A_431 = arith.constant 1 : i32
        %dma_start3A_432 = arith.constant 1 : i32
        %dma_start3A_433 = arith.constant 0 : i32
        %dma_start3A_434 = arith.constant 0 : i32
        %dma_start3A_435 = tpu.memref_slice %arg6[%dma_start3A_431, %dma_start3A_433, %dma_start3A_434] : memref<5x128x128xf32, #tpu.memory_space<vmem>> -> memref<1x128x128xf32, #tpu.memory_space<vmem>>
        %dma_start3A_436 = tpu.memref_squeeze %dma_start3A_435 : memref<1x128x128xf32, #tpu.memory_space<vmem>> -> memref<128x128xf32, #tpu.memory_space<vmem>>
        %dma_start3A_437 = arith.constant 0 : i32
        %dma_start3A_438 = tpu.memref_slice %arg5[%add3A_355, %dma_start3A_437] : memref<200x128xi32, #tpu.memory_space<vmem>> -> memref<1x128xi32, #tpu.memory_space<vmem>>
        %dma_start3A_439 = tpu.memref_squeeze %dma_start3A_438 : memref<1x128xi32, #tpu.memory_space<vmem>> -> memref<128xi32, #tpu.memory_space<vmem>>
        %dma_start3A_440 = arith.constant 0 : i32
        %dma_start3A_441 = arith.constant 0 : i32
        %dma_start3A_442 = tpu.memref_slice %arg7[%dma_start3A_440, %dma_start3A_441] : memref<64x128xf32, #tpu.memory_space<vmem_shared>> -> memref<64x128xf32, #tpu.memory_space<vmem_shared>>
        %dma_start3A_443 = tpu.memref_slice %arg8[%dma_start3A_432] : memref<5x!tpu.dma_semaphore, #tpu.memory_space<semaphore_mem>> -> memref<1x!tpu.dma_semaphore, #tpu.memory_space<semaphore_mem>>
        %dma_start3A_444 = tpu.memref_squeeze %dma_start3A_443 : memref<1x!tpu.dma_semaphore, #tpu.memory_space<semaphore_mem>> -> memref<!tpu.dma_semaphore, #tpu.memory_space<semaphore_mem>>
        tpu.enqueue_indirect_dma source(%dma_start3A_442 : memref<64x128xf32, #tpu.memory_space<vmem_shared>>) target(%dma_start3A_436 : memref<128x128xf32, #tpu.memory_space<vmem>>) offsets(%dma_start3A_439 : memref<128xi32, #tpu.memory_space<vmem>>) semaphore(%dma_start3A_444 : memref<!tpu.dma_semaphore, #tpu.memory_space<semaphore_mem>>)
      } else {
      }
      %mul3A_364 = arith.constant 5 : i32
      %mul3A_365 = arith.muli %scan3A_162, %mul3A_364 : i32
      %add3A_366 = arith.constant 4 : i32
      %add3A_367 = arith.addi %mul3A_365, %add3A_366 : i32
      %dma_wait3A_368 = arith.constant 4 : i32
      %dma_wait3A_369 = arith.constant 4 : i32
      %dma_wait3A_370 = arith.constant 0 : i32
      %dma_wait3A_371 = arith.constant 0 : i32
      %dma_wait3A_372 = tpu.memref_slice %arg6[%dma_wait3A_368, %dma_wait3A_370, %dma_wait3A_371] : memref<5x128x128xf32, #tpu.memory_space<vmem>> -> memref<1x128x128xf32, #tpu.memory_space<vmem>>
      %dma_wait3A_373 = tpu.memref_squeeze %dma_wait3A_372 : memref<1x128x128xf32, #tpu.memory_space<vmem>> -> memref<128x128xf32, #tpu.memory_space<vmem>>
      %dma_wait3A_374 = arith.constant 0 : i32
      %dma_wait3A_375 = arith.constant 0 : i32
      %dma_wait3A_376 = tpu.memref_slice %arg4[%dma_wait3A_374, %dma_wait3A_375] : memref<819200x128xf32, #tpu.memory_space<hbm>> -> memref<128x128xf32, #tpu.memory_space<hbm>>
      %dma_wait3A_377 = tpu.memref_slice %arg8[%dma_wait3A_369] : memref<5x!tpu.dma_semaphore, #tpu.memory_space<semaphore_mem>> -> memref<1x!tpu.dma_semaphore, #tpu.memory_space<semaphore_mem>>
      %dma_wait3A_378 = tpu.memref_squeeze %dma_wait3A_377 : memref<1x!tpu.dma_semaphore, #tpu.memory_space<semaphore_mem>> -> memref<!tpu.dma_semaphore, #tpu.memory_space<semaphore_mem>>
      %dma_wait3A_379 = arith.constant 0 : i32
      %dma_wait3A_380 = arith.constant 0 : i32
      %dma_wait3A_381 = tpu.memref_slice %arg6[%dma_wait3A_368, %dma_wait3A_379, %dma_wait3A_380] : memref<5x128x128xf32, #tpu.memory_space<vmem>> -> memref<1x128x128xf32, #tpu.memory_space<vmem>>
      %dma_wait3A_382 = tpu.memref_squeeze %dma_wait3A_381 : memref<1x128x128xf32, #tpu.memory_space<vmem>> -> memref<128x128xf32, #tpu.memory_space<vmem>>
      %dma_wait3A_383 = arith.constant 0 : i32
      %dma_wait3A_384 = arith.constant 0 : i32
      %dma_wait3A_385 = tpu.memref_slice %arg4[%dma_wait3A_383, %dma_wait3A_384] : memref<819200x128xf32, #tpu.memory_space<hbm>> -> memref<128x128xf32, #tpu.memory_space<hbm>>
      tpu.wait_dma2 semaphore(%dma_wait3A_378 : memref<!tpu.dma_semaphore, #tpu.memory_space<semaphore_mem>>) src(%dma_wait3A_385 : memref<128x128xf32, #tpu.memory_space<hbm>>) dst(%dma_wait3A_382 : memref<128x128xf32, #tpu.memory_space<vmem>>)
      %mul3A_386 = arith.constant 128 : i32
      %mul3A_387 = arith.muli %add3A_367, %mul3A_386 : i32
      %add3A_388 = arith.addi %mul3A_2, %mul3A_387 : i32
      %dma_start3A_389 = arith.constant 4 : i32
      %dma_start3A_390 = arith.constant 4 : i32
      %dma_start3A_391 = arith.constant 0 : i32
      %dma_start3A_392 = arith.constant 0 : i32
      %dma_start3A_393 = tpu.memref_slice %arg6[%dma_start3A_389, %dma_start3A_391, %dma_start3A_392] : memref<5x128x128xf32, #tpu.memory_space<vmem>> -> memref<1x128x128xf32, #tpu.memory_space<vmem>>
      %dma_start3A_394 = tpu.memref_squeeze %dma_start3A_393 : memref<1x128x128xf32, #tpu.memory_space<vmem>> -> memref<128x128xf32, #tpu.memory_space<vmem>>
      %dma_start3A_395 = arith.constant 0 : i32
      %dma_start3A_396 = tpu.memref_slice %arg4[%add3A_388, %dma_start3A_395] : memref<819200x128xf32, #tpu.memory_space<hbm>> -> memref<128x128xf32, #tpu.memory_space<hbm>>
      %dma_start3A_397 = tpu.memref_slice %arg9[%dma_start3A_390] : memref<5x!tpu.dma_semaphore, #tpu.memory_space<semaphore_mem>> -> memref<1x!tpu.dma_semaphore, #tpu.memory_space<semaphore_mem>>
      %dma_start3A_398 = tpu.memref_squeeze %dma_start3A_397 : memref<1x!tpu.dma_semaphore, #tpu.memory_space<semaphore_mem>> -> memref<!tpu.dma_semaphore, #tpu.memory_space<semaphore_mem>>
      %dma_start3A_399 = arith.constant 0 : i32
      %dma_start3A_400 = tpu.memref_slice %arg4[%add3A_388, %dma_start3A_399] : memref<819200x128xf32, #tpu.memory_space<hbm>> -> memref<128x128xf32, #tpu.memory_space<hbm>>
      %dma_start3A_401 = arith.constant 0 : i32
      %dma_start3A_402 = arith.constant 0 : i32
      %dma_start3A_403 = tpu.memref_slice %arg6[%dma_start3A_389, %dma_start3A_401, %dma_start3A_402] : memref<5x128x128xf32, #tpu.memory_space<vmem>> -> memref<1x128x128xf32, #tpu.memory_space<vmem>>
      %dma_start3A_404 = tpu.memref_squeeze %dma_start3A_403 : memref<1x128x128xf32, #tpu.memory_space<vmem>> -> memref<128x128xf32, #tpu.memory_space<vmem>>
      tpu.enqueue_dma source(%dma_start3A_404 : memref<128x128xf32, #tpu.memory_space<vmem>>) target(%dma_start3A_400 : memref<128x128xf32, #tpu.memory_space<hbm>>) target_semaphore(%dma_start3A_398 : memref<!tpu.dma_semaphore, #tpu.memory_space<semaphore_mem>>)
      %add3A_405 = arith.constant 3 : i32
      %add3A_406 = arith.addi %add3A_367, %add3A_405 : i32
      %ge3A_407 = arith.constant 5 : i32
      %ge3A_408 = arith.cmpi sge, %add3A_406, %ge3A_407 : i32
      %lt3A_409 = arith.constant 200 : i32
      %lt3A_410 = arith.cmpi slt, %add3A_406, %lt3A_409 : i32
      %and3A_411 = arith.andi %ge3A_408, %lt3A_410 : i1
      %convert_element_type3A_412 = arith.extui %and3A_411 : i1 to i32
      %cond3A_413 = arith.constant 0 : i32
      %cond3A_414 = arith.cmpi ne, %convert_element_type3A_412, %cond3A_413 : i32
      scf.if %cond3A_414 {
        %dma_wait3A_415 = arith.constant 2 : i32
        %dma_wait3A_416 = arith.constant 2 : i32
        %dma_wait3A_417 = arith.constant 0 : i32
        %dma_wait3A_418 = arith.constant 0 : i32
        %dma_wait3A_419 = tpu.memref_slice %arg6[%dma_wait3A_415, %dma_wait3A_417, %dma_wait3A_418] : memref<5x128x128xf32, #tpu.memory_space<vmem>> -> memref<1x128x128xf32, #tpu.memory_space<vmem>>
        %dma_wait3A_420 = tpu.memref_squeeze %dma_wait3A_419 : memref<1x128x128xf32, #tpu.memory_space<vmem>> -> memref<128x128xf32, #tpu.memory_space<vmem>>
        %dma_wait3A_421 = arith.constant 0 : i32
        %dma_wait3A_422 = tpu.memref_slice %arg4[%mul3A_2, %dma_wait3A_421] : memref<819200x128xf32, #tpu.memory_space<hbm>> -> memref<128x128xf32, #tpu.memory_space<hbm>>
        %dma_wait3A_423 = tpu.memref_slice %arg9[%dma_wait3A_416] : memref<5x!tpu.dma_semaphore, #tpu.memory_space<semaphore_mem>> -> memref<1x!tpu.dma_semaphore, #tpu.memory_space<semaphore_mem>>
        %dma_wait3A_424 = tpu.memref_squeeze %dma_wait3A_423 : memref<1x!tpu.dma_semaphore, #tpu.memory_space<semaphore_mem>> -> memref<!tpu.dma_semaphore, #tpu.memory_space<semaphore_mem>>
        %dma_wait3A_425 = arith.constant 0 : i32
        %dma_wait3A_426 = tpu.memref_slice %arg4[%mul3A_2, %dma_wait3A_425] : memref<819200x128xf32, #tpu.memory_space<hbm>> -> memref<128x128xf32, #tpu.memory_space<hbm>>
        %dma_wait3A_427 = arith.constant 0 : i32
        %dma_wait3A_428 = arith.constant 0 : i32
        %dma_wait3A_429 = tpu.memref_slice %arg6[%dma_wait3A_415, %dma_wait3A_427, %dma_wait3A_428] : memref<5x128x128xf32, #tpu.memory_space<vmem>> -> memref<1x128x128xf32, #tpu.memory_space<vmem>>
        %dma_wait3A_430 = tpu.memref_squeeze %dma_wait3A_429 : memref<1x128x128xf32, #tpu.memory_space<vmem>> -> memref<128x128xf32, #tpu.memory_space<vmem>>
        tpu.wait_dma2 semaphore(%dma_wait3A_424 : memref<!tpu.dma_semaphore, #tpu.memory_space<semaphore_mem>>) src(%dma_wait3A_430 : memref<128x128xf32, #tpu.memory_space<vmem>>) dst(%dma_wait3A_426 : memref<128x128xf32, #tpu.memory_space<hbm>>)
        %dma_start3A_431 = arith.constant 2 : i32
        %dma_start3A_432 = arith.constant 2 : i32
        %dma_start3A_433 = arith.constant 0 : i32
        %dma_start3A_434 = arith.constant 0 : i32
        %dma_start3A_435 = tpu.memref_slice %arg6[%dma_start3A_431, %dma_start3A_433, %dma_start3A_434] : memref<5x128x128xf32, #tpu.memory_space<vmem>> -> memref<1x128x128xf32, #tpu.memory_space<vmem>>
        %dma_start3A_436 = tpu.memref_squeeze %dma_start3A_435 : memref<1x128x128xf32, #tpu.memory_space<vmem>> -> memref<128x128xf32, #tpu.memory_space<vmem>>
        %dma_start3A_437 = arith.constant 0 : i32
        %dma_start3A_438 = tpu.memref_slice %arg5[%add3A_406, %dma_start3A_437] : memref<200x128xi32, #tpu.memory_space<vmem>> -> memref<1x128xi32, #tpu.memory_space<vmem>>
        %dma_start3A_439 = tpu.memref_squeeze %dma_start3A_438 : memref<1x128xi32, #tpu.memory_space<vmem>> -> memref<128xi32, #tpu.memory_space<vmem>>
        %dma_start3A_440 = arith.constant 0 : i32
        %dma_start3A_441 = arith.constant 0 : i32
        %dma_start3A_442 = tpu.memref_slice %arg7[%dma_start3A_440, %dma_start3A_441] : memref<64x128xf32, #tpu.memory_space<vmem_shared>> -> memref<64x128xf32, #tpu.memory_space<vmem_shared>>
        %dma_start3A_443 = tpu.memref_slice %arg8[%dma_start3A_432] : memref<5x!tpu.dma_semaphore, #tpu.memory_space<semaphore_mem>> -> memref<1x!tpu.dma_semaphore, #tpu.memory_space<semaphore_mem>>
        %dma_start3A_444 = tpu.memref_squeeze %dma_start3A_443 : memref<1x!tpu.dma_semaphore, #tpu.memory_space<semaphore_mem>> -> memref<!tpu.dma_semaphore, #tpu.memory_space<semaphore_mem>>
        tpu.enqueue_indirect_dma source(%dma_start3A_442 : memref<64x128xf32, #tpu.memory_space<vmem_shared>>) target(%dma_start3A_436 : memref<128x128xf32, #tpu.memory_space<vmem>>) offsets(%dma_start3A_439 : memref<128xi32, #tpu.memory_space<vmem>>) semaphore(%dma_start3A_444 : memref<!tpu.dma_semaphore, #tpu.memory_space<semaphore_mem>>)
      } else {
      }
    }
    %scan3A_82 = arith.constant 40 : i32
    %dma_wait3A = arith.constant 0 : i32
    %dma_wait3A_83 = arith.constant 0 : i32
    %dma_wait3A_84 = arith.constant 0 : i32
    %dma_wait3A_85 = arith.constant 0 : i32
    %dma_wait3A_86 = tpu.memref_slice %arg6[%dma_wait3A, %dma_wait3A_84, %dma_wait3A_85] : memref<5x128x128xf32, #tpu.memory_space<vmem>> -> memref<1x128x128xf32, #tpu.memory_space<vmem>>
    %dma_wait3A_87 = tpu.memref_squeeze %dma_wait3A_86 : memref<1x128x128xf32, #tpu.memory_space<vmem>> -> memref<128x128xf32, #tpu.memory_space<vmem>>
    %dma_wait3A_88 = arith.constant 0 : i32
    %dma_wait3A_89 = tpu.memref_slice %arg4[%mul3A_2, %dma_wait3A_88] : memref<819200x128xf32, #tpu.memory_space<hbm>> -> memref<128x128xf32, #tpu.memory_space<hbm>>
    %dma_wait3A_90 = tpu.memref_slice %arg9[%dma_wait3A_83] : memref<5x!tpu.dma_semaphore, #tpu.memory_space<semaphore_mem>> -> memref<1x!tpu.dma_semaphore, #tpu.memory_space<semaphore_mem>>
    %dma_wait3A_91 = tpu.memref_squeeze %dma_wait3A_90 : memref<1x!tpu.dma_semaphore, #tpu.memory_space<semaphore_mem>> -> memref<!tpu.dma_semaphore, #tpu.memory_space<semaphore_mem>>
    %dma_wait3A_92 = arith.constant 0 : i32
    %dma_wait3A_93 = tpu.memref_slice %arg4[%mul3A_2, %dma_wait3A_92] : memref<819200x128xf32, #tpu.memory_space<hbm>> -> memref<128x128xf32, #tpu.memory_space<hbm>>
    %dma_wait3A_94 = arith.constant 0 : i32
    %dma_wait3A_95 = arith.constant 0 : i32
    %dma_wait3A_96 = tpu.memref_slice %arg6[%dma_wait3A, %dma_wait3A_94, %dma_wait3A_95] : memref<5x128x128xf32, #tpu.memory_space<vmem>> -> memref<1x128x128xf32, #tpu.memory_space<vmem>>
    %dma_wait3A_97 = tpu.memref_squeeze %dma_wait3A_96 : memref<1x128x128xf32, #tpu.memory_space<vmem>> -> memref<128x128xf32, #tpu.memory_space<vmem>>
    tpu.wait_dma2 semaphore(%dma_wait3A_91 : memref<!tpu.dma_semaphore, #tpu.memory_space<semaphore_mem>>) src(%dma_wait3A_97 : memref<128x128xf32, #tpu.memory_space<vmem>>) dst(%dma_wait3A_93 : memref<128x128xf32, #tpu.memory_space<hbm>>)
    %dma_wait3A_98 = arith.constant 1 : i32
    %dma_wait3A_99 = arith.constant 1 : i32
    %dma_wait3A_100 = arith.constant 0 : i32
    %dma_wait3A_101 = arith.constant 0 : i32
    %dma_wait3A_102 = tpu.memref_slice %arg6[%dma_wait3A_98, %dma_wait3A_100, %dma_wait3A_101] : memref<5x128x128xf32, #tpu.memory_space<vmem>> -> memref<1x128x128xf32, #tpu.memory_space<vmem>>
    %dma_wait3A_103 = tpu.memref_squeeze %dma_wait3A_102 : memref<1x128x128xf32, #tpu.memory_space<vmem>> -> memref<128x128xf32, #tpu.memory_space<vmem>>
    %dma_wait3A_104 = arith.constant 0 : i32
    %dma_wait3A_105 = tpu.memref_slice %arg4[%mul3A_2, %dma_wait3A_104] : memref<819200x128xf32, #tpu.memory_space<hbm>> -> memref<128x128xf32, #tpu.memory_space<hbm>>
    %dma_wait3A_106 = tpu.memref_slice %arg9[%dma_wait3A_99] : memref<5x!tpu.dma_semaphore, #tpu.memory_space<semaphore_mem>> -> memref<1x!tpu.dma_semaphore, #tpu.memory_space<semaphore_mem>>
    %dma_wait3A_107 = tpu.memref_squeeze %dma_wait3A_106 : memref<1x!tpu.dma_semaphore, #tpu.memory_space<semaphore_mem>> -> memref<!tpu.dma_semaphore, #tpu.memory_space<semaphore_mem>>
    %dma_wait3A_108 = arith.constant 0 : i32
    %dma_wait3A_109 = tpu.memref_slice %arg4[%mul3A_2, %dma_wait3A_108] : memref<819200x128xf32, #tpu.memory_space<hbm>> -> memref<128x128xf32, #tpu.memory_space<hbm>>
    %dma_wait3A_110 = arith.constant 0 : i32
    %dma_wait3A_111 = arith.constant 0 : i32
    %dma_wait3A_112 = tpu.memref_slice %arg6[%dma_wait3A_98, %dma_wait3A_110, %dma_wait3A_111] : memref<5x128x128xf32, #tpu.memory_space<vmem>> -> memref<1x128x128xf32, #tpu.memory_space<vmem>>
    %dma_wait3A_113 = tpu.memref_squeeze %dma_wait3A_112 : memref<1x128x128xf32, #tpu.memory_space<vmem>> -> memref<128x128xf32, #tpu.memory_space<vmem>>
    tpu.wait_dma2 semaphore(%dma_wait3A_107 : memref<!tpu.dma_semaphore, #tpu.memory_space<semaphore_mem>>) src(%dma_wait3A_113 : memref<128x128xf32, #tpu.memory_space<vmem>>) dst(%dma_wait3A_109 : memref<128x128xf32, #tpu.memory_space<hbm>>)
    %dma_wait3A_114 = arith.constant 2 : i32
    %dma_wait3A_115 = arith.constant 2 : i32
    %dma_wait3A_116 = arith.constant 0 : i32
    %dma_wait3A_117 = arith.constant 0 : i32
    %dma_wait3A_118 = tpu.memref_slice %arg6[%dma_wait3A_114, %dma_wait3A_116, %dma_wait3A_117] : memref<5x128x128xf32, #tpu.memory_space<vmem>> -> memref<1x128x128xf32, #tpu.memory_space<vmem>>
    %dma_wait3A_119 = tpu.memref_squeeze %dma_wait3A_118 : memref<1x128x128xf32, #tpu.memory_space<vmem>> -> memref<128x128xf32, #tpu.memory_space<vmem>>
    %dma_wait3A_120 = arith.constant 0 : i32
    %dma_wait3A_121 = tpu.memref_slice %arg4[%mul3A_2, %dma_wait3A_120] : memref<819200x128xf32, #tpu.memory_space<hbm>> -> memref<128x128xf32, #tpu.memory_space<hbm>>
    %dma_wait3A_122 = tpu.memref_slice %arg9[%dma_wait3A_115] : memref<5x!tpu.dma_semaphore, #tpu.memory_space<semaphore_mem>> -> memref<1x!tpu.dma_semaphore, #tpu.memory_space<semaphore_mem>>
    %dma_wait3A_123 = tpu.memref_squeeze %dma_wait3A_122 : memref<1x!tpu.dma_semaphore, #tpu.memory_space<semaphore_mem>> -> memref<!tpu.dma_semaphore, #tpu.memory_space<semaphore_mem>>
    %dma_wait3A_124 = arith.constant 0 : i32
    %dma_wait3A_125 = tpu.memref_slice %arg4[%mul3A_2, %dma_wait3A_124] : memref<819200x128xf32, #tpu.memory_space<hbm>> -> memref<128x128xf32, #tpu.memory_space<hbm>>
    %dma_wait3A_126 = arith.constant 0 : i32
    %dma_wait3A_127 = arith.constant 0 : i32
    %dma_wait3A_128 = tpu.memref_slice %arg6[%dma_wait3A_114, %dma_wait3A_126, %dma_wait3A_127] : memref<5x128x128xf32, #tpu.memory_space<vmem>> -> memref<1x128x128xf32, #tpu.memory_space<vmem>>
    %dma_wait3A_129 = tpu.memref_squeeze %dma_wait3A_128 : memref<1x128x128xf32, #tpu.memory_space<vmem>> -> memref<128x128xf32, #tpu.memory_space<vmem>>
    tpu.wait_dma2 semaphore(%dma_wait3A_123 : memref<!tpu.dma_semaphore, #tpu.memory_space<semaphore_mem>>) src(%dma_wait3A_129 : memref<128x128xf32, #tpu.memory_space<vmem>>) dst(%dma_wait3A_125 : memref<128x128xf32, #tpu.memory_space<hbm>>)
    %dma_wait3A_130 = arith.constant 3 : i32
    %dma_wait3A_131 = arith.constant 3 : i32
    %dma_wait3A_132 = arith.constant 0 : i32
    %dma_wait3A_133 = arith.constant 0 : i32
    %dma_wait3A_134 = tpu.memref_slice %arg6[%dma_wait3A_130, %dma_wait3A_132, %dma_wait3A_133] : memref<5x128x128xf32, #tpu.memory_space<vmem>> -> memref<1x128x128xf32, #tpu.memory_space<vmem>>
    %dma_wait3A_135 = tpu.memref_squeeze %dma_wait3A_134 : memref<1x128x128xf32, #tpu.memory_space<vmem>> -> memref<128x128xf32, #tpu.memory_space<vmem>>
    %dma_wait3A_136 = arith.constant 0 : i32
    %dma_wait3A_137 = tpu.memref_slice %arg4[%mul3A_2, %dma_wait3A_136] : memref<819200x128xf32, #tpu.memory_space<hbm>> -> memref<128x128xf32, #tpu.memory_space<hbm>>
    %dma_wait3A_138 = tpu.memref_slice %arg9[%dma_wait3A_131] : memref<5x!tpu.dma_semaphore, #tpu.memory_space<semaphore_mem>> -> memref<1x!tpu.dma_semaphore, #tpu.memory_space<semaphore_mem>>
    %dma_wait3A_139 = tpu.memref_squeeze %dma_wait3A_138 : memref<1x!tpu.dma_semaphore, #tpu.memory_space<semaphore_mem>> -> memref<!tpu.dma_semaphore, #tpu.memory_space<semaphore_mem>>
    %dma_wait3A_140 = arith.constant 0 : i32
    %dma_wait3A_141 = tpu.memref_slice %arg4[%mul3A_2, %dma_wait3A_140] : memref<819200x128xf32, #tpu.memory_space<hbm>> -> memref<128x128xf32, #tpu.memory_space<hbm>>
    %dma_wait3A_142 = arith.constant 0 : i32
    %dma_wait3A_143 = arith.constant 0 : i32
    %dma_wait3A_144 = tpu.memref_slice %arg6[%dma_wait3A_130, %dma_wait3A_142, %dma_wait3A_143] : memref<5x128x128xf32, #tpu.memory_space<vmem>> -> memref<1x128x128xf32, #tpu.memory_space<vmem>>
    %dma_wait3A_145 = tpu.memref_squeeze %dma_wait3A_144 : memref<1x128x128xf32, #tpu.memory_space<vmem>> -> memref<128x128xf32, #tpu.memory_space<vmem>>
    tpu.wait_dma2 semaphore(%dma_wait3A_139 : memref<!tpu.dma_semaphore, #tpu.memory_space<semaphore_mem>>) src(%dma_wait3A_145 : memref<128x128xf32, #tpu.memory_space<vmem>>) dst(%dma_wait3A_141 : memref<128x128xf32, #tpu.memory_space<hbm>>)
    %dma_wait3A_146 = arith.constant 4 : i32
    %dma_wait3A_147 = arith.constant 4 : i32
    %dma_wait3A_148 = arith.constant 0 : i32
    %dma_wait3A_149 = arith.constant 0 : i32
    %dma_wait3A_150 = tpu.memref_slice %arg6[%dma_wait3A_146, %dma_wait3A_148, %dma_wait3A_149] : memref<5x128x128xf32, #tpu.memory_space<vmem>> -> memref<1x128x128xf32, #tpu.memory_space<vmem>>
    %dma_wait3A_151 = tpu.memref_squeeze %dma_wait3A_150 : memref<1x128x128xf32, #tpu.memory_space<vmem>> -> memref<128x128xf32, #tpu.memory_space<vmem>>
    %dma_wait3A_152 = arith.constant 0 : i32
    %dma_wait3A_153 = tpu.memref_slice %arg4[%mul3A_2, %dma_wait3A_152] : memref<819200x128xf32, #tpu.memory_space<hbm>> -> memref<128x128xf32, #tpu.memory_space<hbm>>
    %dma_wait3A_154 = tpu.memref_slice %arg9[%dma_wait3A_147] : memref<5x!tpu.dma_semaphore, #tpu.memory_space<semaphore_mem>> -> memref<1x!tpu.dma_semaphore, #tpu.memory_space<semaphore_mem>>
    %dma_wait3A_155 = tpu.memref_squeeze %dma_wait3A_154 : memref<1x!tpu.dma_semaphore, #tpu.memory_space<semaphore_mem>> -> memref<!tpu.dma_semaphore, #tpu.memory_space<semaphore_mem>>
    %dma_wait3A_156 = arith.constant 0 : i32
    %dma_wait3A_157 = tpu.memref_slice %arg4[%mul3A_2, %dma_wait3A_156] : memref<819200x128xf32, #tpu.memory_space<hbm>> -> memref<128x128xf32, #tpu.memory_space<hbm>>
    %dma_wait3A_158 = arith.constant 0 : i32
    %dma_wait3A_159 = arith.constant 0 : i32
    %dma_wait3A_160 = tpu.memref_slice %arg6[%dma_wait3A_146, %dma_wait3A_158, %dma_wait3A_159] : memref<5x128x128xf32, #tpu.memory_space<vmem>> -> memref<1x128x128xf32, #tpu.memory_space<vmem>>
    %dma_wait3A_161 = tpu.memref_squeeze %dma_wait3A_160 : memref<1x128x128xf32, #tpu.memory_space<vmem>> -> memref<128x128xf32, #tpu.memory_space<vmem>>
    tpu.wait_dma2 semaphore(%dma_wait3A_155 : memref<!tpu.dma_semaphore, #tpu.memory_space<semaphore_mem>>) src(%dma_wait3A_161 : memref<128x128xf32, #tpu.memory_space<vmem>>) dst(%dma_wait3A_157 : memref<128x128xf32, #tpu.memory_space<hbm>>)
    return
  }
}

</mosaic_0001>

<sc_bundles>
// kernel: kernel.3.cloned.1.call-start
scs
__scs_entry_jumppad:
0x0: {  	(pc) =	sbr.rel $0x88, $3  }
0x1: {  	(tag) =	ssettag $0x0;
	lr =	simm.s32 $0x1  }
0x2: {  	[smem:$0x3F9F] =	sst lr;
	_ =	strace $0xD0000000  }
0x3: {  	_ = 	snop  }
0x4: {  	_ = 	snop  }
0x5: {  	_ = 	snop  }
0x6: {  	_ = 	snop  }
0x7: {  	_ = 	snop  }
__scs_overlays_trampoline_lowered:
0x8: {  	[smem:$0x3FAE] =	sst s0  }
0x9: {  	[smem:$0x3FAF] =	sst s1  }
0xa: {  	[smem:$0x3FB0] =	sst s2  }
0xb: {  	[smem:$0x3FB1] =	sst s3  }
0xc: {  	[smem:$0x3FB2] =	sst s4  }
0xd: {  	[smem:$0x3FB3] =	sst s5  }
0xe: {  	[smem:$0x3FB4] =	sst s6  }
0xf: {  	[smem:$0x3FB5] =	sst s7  }
0x10: {  	[smem:$0x3FB6] =	sst s8  }
0x11: {  	[smem:$0x3FB7] =	sst s9;
	s0 =	simm.s32 @!p0 $0x0  }
0x12: {  	s1 =	sld [smem:$0x3F9D];
	s0 =	simm.s32 @p0 $0x1  }
0x13: {  	[smem:$0x3FB8] =	sst s0;
	s0 =	simm.s32 @!p1 $0x0  }
0x14: {  	s2 =	sld [smem:$0x3F9C];
	s0 =	simm.s32 @p1 $0x1  }
0x15: {  	[smem:$0x3FB9] =	sst s0;
	s0 =	simm.s32 @!p2 $0x0  }
0x16: {  	s3 =	sld [smem:$0x3FDB];
	s0 =	simm.s32 @p2 $0x1  }
0x17: {  	s4 =	simm.s32 $0x1BF5;
	[smem:$0x3FBB] =	sst s0  }
0x18: {  	s0 =	sld [smem:$0x3F9E];
	_ =	swait.ge [sflag:s4], $0x0  }
0x19: {  	s7 =	sld [smem:$0x3F9F]  }
0x1a: {  	s8 =	sadd.s32 $0xFFFFE003, lr  }
0x1b: {  	s9 =	sadd.s32 $0xFFFFFEF7, lr;
	s5 =	simm.s32 $0xFFFFFFFF;
	p2 =	slt.u32 s8, $0xFFFFF086  }
0x1c: {  	p1 =	slt.u32 s9, $0xF7A;
	s5 =	simm.s32 @!p2 $0x0  }
0x1d: {  	s5 =	simm.s32 @p1 $0x1;
	p0 =	seq.s32 s7, s2  }
0x1e: {  	s7 =	smul.u32 @!p0 $0xF7A, s2;
	p2 =	seq.s32 @!p0 s5, $0x0  }
0x1f: {  	s9 =	smul.u32 $0xF7A, s1;
	s8 =	simm.s32 @!p0 $0x1BF5;
	p2 =	por !p2, p0  }
0x20: {  	[sflag:s8] =	ssyncset.s32 @!p0 $0xFFFFF086;
	s6 =	sadd.s32 @!p0 s3, s7;
	s7 =	simm.s32 @!p0 $0x108  }
0x21: {  	s3 =	sadd.s32 s3, s9;
	s6 =	sadd.s32 @!p0 $0x88, s6;
	s7 =	simm.s32 @p2 $0x1082  }
0x22: {  	[simem:s7], [sflag:s8] =	dma.local @!p0 [hbm:s6], $0xF7A  }
0x23: {  	s9 =	sor.u32 $0xD0000000, s2;
	s6 =	simm.s32 $0x108;
	_ =	swait.ge @!p0 [sflag:s8], $0x0  }
0x24: {  	s3 =	sadd.s32 $0x88, s3;
	s6 =	simm.s32 @!p1 $0x1082;
	[sflag:s4] =	ssyncset.s32 $0xFFFFF086  }
0x25: {  	[simem:s6], [sflag:s4] =	dma.local [hbm:s3], $0xF7A  }
0x26: {  	[smem:$0x3F9F] =	sst s1;
	(tag) =	ssettag s2;
	_ =	strace s9  }
0x27: {  	s1 =	sld [smem:$0x3FAF]  }
0x28: {  	s2 =	sld [smem:$0x3FB0]  }
0x29: {  	s4 =	sld [smem:$0x3FB2]  }
0x2a: {  	p0 =	seq.s32 s5, $0x0;
	s5 =	sld [smem:$0x3FB3]  }
0x2b: {  	s6 =	sld [smem:$0x3FB4]  }
0x2c: {  	s7 =	sld [smem:$0x3FB5]  }
0x2d: {  	s3 =	simm.s32 $0x108;
	s8 =	sld [smem:$0x3FB6]  }
0x2e: {  	s3 =	simm.s32 @!p0 $0x1082;
	s9 =	sld [smem:$0x3FB7]  }
0x2f: {  	lr =	sadd.s32 s0, s3;
	s0 =	sld [smem:$0x3FAE]  }
0x30: {  	s3 =	sld [smem:$0x3FB1]  }
0x31: {  	[smem:$0x3FBA] =	sst s10  }
0x32: {  	s10 =	sld [smem:$0x3FB8];
	_ =	sdelay $0x3  }
0x33: {  	p0 =	seq.s32 s10, $0x1;
	s10 =	sld [smem:$0x3FBA];
	_ =	sdelay $0x3  }
0x34: {  	[smem:$0x3FBA] =	sst s10  }
0x35: {  	s10 =	sld [smem:$0x3FB9];
	_ =	sdelay $0x3  }
0x36: {  	p1 =	seq.s32 s10, $0x1;
	s10 =	sld [smem:$0x3FBA];
	_ =	sdelay $0x3  }
0x37: {  	[smem:$0x3FBA] =	sst s10  }
0x38: {  	s10 =	sld [smem:$0x3FBB]  }
0x39: {  	_ = 	snop;
	(pc) =	sbr.ind lr, $3  }
0x3a: {  	_ = 	snop  }
0x3b: {  	_ = 	snop  }
0x3c: {  	p2 =	seq.s32 s10, $0x1;
	s10 =	sld [smem:$0x3FBA]  }
0x3d: {  	_ =	shalt  }
0x3e: {  	_ =	shalt  }
0x3f: {  	_ =	shalt  }
0x40: {  	_ =	shalt  }
0x41: {  	_ =	shalt  }
0x42: {  	_ =	shalt  }
0x43: {  	_ =	shalt  }
0x44: {  	_ =	shalt  }
0x45: {  	_ =	shalt  }
0x46: {  	_ =	shalt  }
0x47: {  	_ =	shalt  }
0x48: {  	_ =	shalt  }
0x49: {  	_ =	shalt  }
0x4a: {  	_ =	shalt  }
0x4b: {  	_ =	shalt  }
0x4c: {  	_ =	shalt  }
0x4d: {  	_ =	shalt  }
0x4e: {  	_ =	shalt  }
0x4f: {  	_ =	shalt  }
0x50: {  	_ =	shalt  }
0x51: {  	_ =	shalt  }
0x52: {  	_ =	shalt  }
0x53: {  	_ =	shalt  }
0x54: {  	_ =	shalt  }
0x55: {  	_ =	shalt  }
0x56: {  	_ =	shalt  }
0x57: {  	_ =	shalt  }
0x58: {  	_ =	shalt  }
0x59: {  	_ =	shalt  }
0x5a: {  	_ =	shalt  }
0x5b: {  	_ =	shalt  }
0x5c: {  	_ =	shalt  }
0x5d: {  	_ =	shalt  }
0x5e: {  	_ =	shalt  }
0x5f: {  	_ =	shalt  }
0x60: {  	_ =	shalt  }
0x61: {  	_ =	shalt  }
0x62: {  	_ =	shalt  }
0x63: {  	_ =	shalt  }
0x64: {  	_ =	shalt  }
0x65: {  	_ =	shalt  }
0x66: {  	_ =	shalt  }
0x67: {  	_ =	shalt  }
0x68: {  	_ =	shalt  }
0x69: {  	_ =	shalt  }
0x6a: {  	_ =	shalt  }
0x6b: {  	_ =	shalt  }
0x6c: {  	_ =	shalt  }
0x6d: {  	_ =	shalt  }
0x6e: {  	_ =	shalt  }
0x6f: {  	_ =	shalt  }
0x70: {  	_ =	shalt  }
0x71: {  	_ =	shalt  }
0x72: {  	_ =	shalt  }
0x73: {  	_ =	shalt  }
0x74: {  	_ =	shalt  }
0x75: {  	_ =	shalt  }
0x76: {  	_ =	shalt  }
0x77: {  	_ =	shalt  }
0x78: {  	_ =	shalt  }
0x79: {  	_ =	shalt  }
0x7a: {  	_ =	shalt  }
0x7b: {  	_ =	shalt  }
0x7c: {  	_ =	shalt  }
0x7d: {  	_ =	shalt  }
0x7e: {  	_ =	shalt  }
0x7f: {  	_ =	shalt  }
0x80: {  	_ =	shalt  }
0x81: {  	_ =	shalt  }
0x82: {  	_ =	shalt  }
0x83: {  	_ =	shalt  }
0x84: {  	_ =	shalt  }
0x85: {  	_ =	shalt  }
0x86: {  	_ =	shalt  }
0x87: {  	_ =	shalt  }
.Lfunc_end0:
.L_simem_size_0:
called_computation_lowered:
.L_overlay_start_0:
0x88: {  	s2 =	sld [smem:$0x3FD9]  }
0x89: {  	s3 =	sld [smem:$0x3FFE];
	_ =	sdelay $0x1  }
0x8a: {  	s1 =	srdreg.scid  }
0x8b: {  	s0 =	sand.u32 $0x1, s1  }
0x8c: {  	s17 =	sshll.u32 s0, $0xA;
	s2 =	sadd.s32 s3, s2  }
0x8d: {  	s2 =	sadd.s32 s2, s17  }
0x8e: {  	[smem:$0x3FC6] =	sst s2  }
0x8f: {  	_ = 	snop  }
0x90: {  	s2 =	sld [smem:$0x3FC8]  }
0x91: {  	s18 =	sld [smem:$0x3FD0];
	(tm) =	ssettm $0x1  }
0x92: {  	s4 =	sld [smem:$0x3FFB];
	_ =	sdelay $0x3  }
0x93: {  	_ =	strace s4  }
0x94: {  	s4 =	sld [smem:$0x3FFC];
	_ =	sdelay $0x3  }
0x95: {  	_ =	strace s4  }
0x96: {  	s4 =	sld [smem:$0x3FFD];
	_ =	sdelay $0x3  }
0x97: {  	_ =	strace s4  }
0x98: {  	_ =	strace $0x8FFFFFFF  }
0x99: {  	s19 =	sld [smem:$0x3FDB];
	_ =	sdelay $0x1  }
0x9a: {  	s5 =	simm.s32 $_scs_section_size  }
0x9b: {  	s6 =	simm.s32 $_size__tile_overlayer_lowered;
	s7 =	simm.s32 $_tile_overlayer_lowered  }
0x9c: {  	s22 =	simm.s32 $0x1BFF;
	s21 =	sshll.u32 s7, $0x1;
	s4 =	sadd.s32 s5, s19  }
0x9d: {  	s8 =	simm.s32 $0x0;
	s20 =	sshll.u32 s6, $0x1;
	s6 =	sadd.s32 s21, s4  }
0x9e: {  	[timem:s8], [sflag:s22] =	dma.local [hbm:s6], s20  }
0x9f: {  	_ =	swait.ge [sflag:s22], s20  }
0xa0: {  	s5 =	ssub.s32 $0x0, s20;
	[sflag:s22] =	ssyncset.done $0x0  }
0xa1: {  	[sflag:s22] =	ssyncadd.s32 s5;
	_ =	sdelay $0x1  }
0xa2: {  	s23 =	simm.s32 $0x1B8B  }
0xa3: {  	_ =	swait.ge [sflag:s23], $0x1  }
0xa4: {  	[sflag:s23] =	ssyncset.done $0x0  }
0xa5: {  	s25 =	simm.s32 $0x1B8E;
	s24 =	sld [smem:$0x3FFE];
	[sflag:s23] =	ssyncadd.s32 $0xFFFFFFFF  }
0xa6: {  	s26 =	simm.s32 $execute0_lowered;
	[smem:$0x3FD2] =	sst s25  }
0xa7: {  	s6 =	sshll.u32 s26, $0x1;
	_ =	strace $0x80000046;
	[dreg:$0x1] =	wrdreg $0xFFFFFFFF  }
0xa8: {  	s28 =	simm.s32 $_size_execute0_lowered;
	s4 =	sadd.s32 s4, s6;
	[dreg:$0x0] =	wrdreg $0x0  }
0xa9: {  	s6 =	sshll.u32 s28, $0x1;
	[dreg:$0x2] =	wrdreg s4  }
0xaa: {  	[dreg:$0x3] =	wrdreg s6  }
0xab: {  	[dreg:$0x4] =	wrdreg $0xC0  }
0xac: {  	_ =	task [dreg:s8], $0x5FFFF  }
0xad: {  	[dreg:$0x1] =	wrdreg $0xFFFFFFFF  }
0xae: {  	[dreg:$0x0] =	wrdreg $0x60  }
0xaf: {  	[dreg:$0x2] =	wrdreg s24  }
0xb0: {  	[dreg:$0x3] =	wrdreg s2  }
0xb1: {  	[dreg:$0x4] =	wrdreg s18  }
0xb2: {  	[dreg:$0x5] =	wrdreg $0x1A4000  }
0xb3: {  	[dreg:$0x6] =	wrdreg $0x9  }
0xb4: {  	_ =	task.clear_ibuf [dreg:s8], $0x7FFFF;
	_ =	strace $0x90000046  }
0xb5: {  	s29 =	simm.s32 $0x9;
	_ =	strace $0x80000048  }
0xb6: {  	_ =	swait.ge [sflag:s29], $0x1  }
0xb7: {  	[sflag:s29] =	ssyncadd.s32 $0xFFFFFFFF  }
0xb8: {  	_ =	strace $0x90000048  }
0xb9: {  	_ =	sfence  }
0xba: {  	s30 =	sld [smem:$0x0];
	_ =	sdelay $0x2  }
0xbb: {  	s31 =	sshll.u32 s1, $0xD;
	s1 =	sshrl.u32 s1, $0x2  }
0xbc: {  	s3 =	sand.u32 $0x4000, s31;
	s1 =	sadd.s32 s1, s30  }
0xbd: {  	s0 =	sor.u32 s3, s0;
	s1 =	sshll.u32 s1, $0x11  }
0xbe: {  	s0 =	sor.u32 s1, s0  }
0xbf: {  	s0 =	sadd.s32 $0x8F2B, s0  }
0xc0: {  	[sflag:s0] =	ssyncadd.remote.s32 $0x1  }
0xc1: {  	_ =	sfence.sel $0xFFFF  }
0xc2: {  	[dreg:$0x0] =	wrdreg $0xFFFFFFFF;
	(pc) =	sbr.abs _section_cstart, $3  }
0xc3: {  	[dreg:$0x1] =	wrdreg $0xFFFFFFFF  }
0xc4: {  	_ =	task.clear_ibuf [dreg:s8], $0x2FFFF;
	_ =	strace $0x9FFFFFFF  }
0xc5: {  	(tm) =	ssettm $0x7FFFFFFF  }
tec
execute0_lowered:
.L_overlay_start_1:
0x0: {  	(tag) =	ssettag $0x1  }
0x1: {  	s0 =	rddreg [dreg:$0x0]  }
0x2: {  	s1 =	srdreg.scid;
	s2 =	stileid.u32  }
0x3: {  	s3 =	rddreg [dreg:$0x3];
	s4 =	simm.s32 $0x0;
	s12 =	simm.s32 $0x80  }
0x4: {  	s13 =	simm.s32 $0x6400;
	s14 =	simm.s32 $0xA400;
	s16 =	simm.s32 $0xE400  }
0x5: {  	s18 =	simm.s32 $0x12400;
	s20 =	simm.s32 $0x16400;
	s21 =	simm.s32 $0x1  }
0x6: {  	s22 =	simm.s32 $0x2;
	s28 =	simm.s32 $0x7;
	s29 =	simm.s32 $0x8  }
0x7: {  	s30 =	simm.s32 $0x9;
	s31 =	simm.s32 $0xA;
	s1 =	sand.u32 $0x1, s1  }
0x8: {  	s5 =	sshll.u32 s2, $0x1;
	[smem:$0x7FF] =	sst s4;
	s6 =	smul.u32 $0x640000, s2  }
0x9: {  	s9 =	smul.u32 $0xC8000, s2;
	p0 =	sne.s32 s2, $0x0;
	s2 =	simm.s32 $0x0  }
0xa: {  	s5 =	sor.u32 s1, s5;
	s7 =	ssub.s32 $0x2, s1;
	s8 =	smul.u32 $0x320000, s1  }
0xb: {  	_ =	strace $0x80000047;
	s5 =	smul.u32 $0x6400, s5;
	s23 =	sshrl.u32 s7, $0x1  }
0xc: {  	s1 =	smul.u32 $0x64000, s1;
	s11 =	sshrl.u32 @!p0 s3, $0x3;
	s7 =	ssub.s32 s7, s23  }
0xd: {  	s10 =	sadd.s32 s8, s6;
	s23 =	simm.s32 $0x3;
	s5 =	sshrl.u32 s5, $0x3  }
.Ltmp0:
0xe: {  	s24 =	smax.u32 s7, $0x1;
	s25 =	sor.u32 $0x10000, s10;
	(pc) =	sbr.rel .LBB2_1-.Ltmp0, $4  }
0xf: {  	s7 =	sadd.s32 s1, s9;
	s26 =	sor.u32 $0xC000, s10;
	s10 =	simm.s32 $0xB  }
0x10: {  	s0 =	sadd.s32 s5, s0;
	[dreg:$0x6] =	wrdreg s24;
	s8 =	sshrl.u32 s25, $0x3  }
0x11: {  	s9 =	sshrl.u32 s26, $0x3;
	s24 =	simm.s32 $0x4;
	s0 =	sadd.s32 $0x400, s0  }
0x12: {  	s25 =	simm.s32 $0x5;
	s26 =	simm.s32 $0x6;
	[dreg:$0x5] =	wrdreg s0  }
.LBB2_4:
0x13: {  	_ =	swait.ge [sflag:s26], $0x4000  }
0x14: {  	[sflag:s26] =	ssyncset.done $0x0  }
0x15: {  	[sflag:s26] =	ssyncadd.s32 $0xFFFFC000  }
0x16: {  	_ =	swait.ge [sflag:s28], $0x4000  }
0x17: {  	[sflag:s28] =	ssyncset.done $0x0  }
0x18: {  	[sflag:s28] =	ssyncadd.s32 $0xFFFFC000  }
0x19: {  	_ =	swait.ge [sflag:s29], $0x4000  }
0x1a: {  	[sflag:s29] =	ssyncset.done $0x0  }
0x1b: {  	[sflag:s29] =	ssyncadd.s32 $0xFFFFC000  }
0x1c: {  	_ =	swait.ge [sflag:s30], $0x4000  }
0x1d: {  	[sflag:s30] =	ssyncset.done $0x0  }
0x1e: {  	[sflag:s30] =	ssyncadd.s32 $0xFFFFC000  }
0x1f: {  	_ =	swait.ge [sflag:s31], $0x4000  }
0x20: {  	s2 =	sadd.s32 $0x1, s2;
	s0 =	rddreg [dreg:$0x6]  }
0x21: {  	p1 =	sne.s32 s2, s0  }
.Ltmp1:
0x22: {  	_ = 	snop;
	(pc) =	sbr.rel @!p1 .LBB2_5-.Ltmp1, $3  }
0x23: {  	_ =	sdelay $0x1  }
0x24: {  	[sflag:s31] =	ssyncset.done $0x0  }
0x25: {  	[sflag:s31] =	ssyncadd.s32 $0xFFFFC000  }
.LBB2_1:
0x26: {  	s0 =	rddreg [dreg:$0x5]  }
0x27: {  	[tilespmem:s4], [sflag:$0xB] =	stream.linear.gather [hbm4b:s0+s4], $0x6400, $0x38;
	[tilespmem:$0x1A600] =	vst v63  }
0x28: {  	_ =	swait.ge [sflag:s10], $0x6400  }
0x29: {  	[sflag:s10] =	ssyncset.done $0x0  }
0x2a: {  	[sflag:s10] =	ssyncadd.s32 $0xFFFF9C00  }
0x2b: {  	s0 =	simm.s32 @!p0 $0x1C0B;
	s1 =	rddreg [dreg:$0x1]  }
0x2c: {  	[spmem:s11], [sflag:s0] =	dma.local @!p0 [hbm:s1], $0x400  }
0x2d: {  	s0 =	simm.s32 @!p0 $0xB  }
0x2e: {  	_ =	swait.ge @!p0 [sflag:s0], $0x400  }
0x2f: {  	[sflag:s0] =	ssyncset.done @!p0 $0x0  }
0x30: {  	[sflag:s0] =	ssyncadd.s32 @!p0 $0xFFFFFC00  }
0x31: {  	[bflag:$0x0] =	sbarrier.arrive $0xFFFF  }
0x32: {  	[tilespmem:s13], [sflag:$0x1] =	stream.indirect.gather [spmem:s3], $0x80, s4, s12, $0xb8;
	[tilespmem:$0x1A600] =	vst v63  }
0x33: {  	_ = 	snop  }
0x34: {  	[tilespmem:s14], [sflag:$0x2] =	stream.indirect.gather [spmem:s3], $0x80, s12, s12, $0xb8;
	[tilespmem:$0x1A600] =	vst v63  }
0x35: {  	s15 =	simm.s32 $0x100  }
0x36: {  	[tilespmem:s16], [sflag:$0x3] =	stream.indirect.gather [spmem:s3], $0x80, s15, s12, $0xb8;
	[tilespmem:$0x1A600] =	vst v63  }
0x37: {  	s17 =	simm.s32 $0x180;
	s19 =	simm.s32 $0x200  }
0x38: {  	[tilespmem:s18], [sflag:$0x4] =	stream.indirect.gather [spmem:s3], $0x80, s17, s12, $0xb8;
	[tilespmem:$0x1A600] =	vst v63  }
0x39: {  	s0 =	simm.s32 $0xFFFFFFFE;
	s1 =	rddreg [dreg:$0x2];
	s15 =	simm.s32 $0x0  }
0x3a: {  	[tilespmem:s20], [sflag:$0x5] =	stream.indirect.gather [spmem:s3], $0x80, s19, s12, $0xb8;
	[tilespmem:$0x1A600] =	vst v63  }
.LBB2_2:
0x3b: {  	_ =	swait.ge [sflag:s21], $0x4000  }
0x3c: {  	p1 =	sgt.u32 s0, $0xC2;
	[sflag:s21] =	ssyncset.done $0x0  }
0x3d: {  	s17 =	sadd.s32 s1, s7;
	s19 =	simm.s32 @!p1 $0x9;
	[sflag:s21] =	ssyncadd.s32 $0xFFFFC000  }
0x3e: {  	[hbm4b:s17+s4] =	stream.linear.scatter [tilespmem:s13], [sflag:$0x6], $0x4000, $0x38;
	[tilespmem:$0x1A600] =	vst v63  }
0x3f: {  	_ =	swait.ge @!p1 [sflag:s19], $0x4000  }
0x40: {  	[sflag:s19] =	ssyncset.done @!p1 $0x0  }
0x41: {  	[sflag:s19] =	ssyncadd.s32 @!p1 $0xFFFFC000;
	s19 =	sshra.s32 @!p1 s15, $0x2  }
0x42: {  	s5 =	simm.s32 @!p1 $0x80;
	s6 =	simm.s32 @!p1 $0x12400;
	s19 =	sadd.s32 @!p1 $0x180, s19  }
0x43: {  	[tilespmem:s6], [sflag:$0x4] =	stream.indirect.gather @!p1 [spmem:s3], $0x80, s19, s5, $0xb8;
	[tilespmem:$0x1A600] =	vst v63  }
0x44: {  	s6 =	sadd.s32 $0x1, s0;
	_ =	swait.ge [sflag:s22], $0x4000  }
0x45: {  	p1 =	sgt.u32 s6, $0xC2;
	[sflag:s22] =	ssyncset.done $0x0  }
0x46: {  	s19 =	sadd.s32 $0x800, s17;
	s5 =	simm.s32 @!p1 $0xA;
	[sflag:s22] =	ssyncadd.s32 $0xFFFFC000  }
0x47: {  	[hbm4b:s19+s4] =	stream.linear.scatter [tilespmem:s14], [sflag:$0x7], $0x4000, $0x38;
	[tilespmem:$0x1A600] =	vst v63  }
0x48: {  	_ =	swait.ge @!p1 [sflag:s5], $0x4000  }
0x49: {  	[sflag:s5] =	ssyncset.done @!p1 $0x0  }
0x4a: {  	[sflag:s5] =	ssyncadd.s32 @!p1 $0xFFFFC000;
	s5 =	sshra.s32 @!p1 s15, $0x2  }
0x4b: {  	s6 =	simm.s32 @!p1 $0x80;
	s19 =	simm.s32 @!p1 $0x16400;
	s5 =	sadd.s32 @!p1 $0x200, s5  }
0x4c: {  	[tilespmem:s19], [sflag:$0x5] =	stream.indirect.gather @!p1 [spmem:s3], $0x80, s5, s6, $0xb8;
	[tilespmem:$0x1A600] =	vst v63  }
0x4d: {  	_ =	swait.ge [sflag:s23], $0x4000  }
0x4e: {  	p1 =	seq.s32 s15, $0x18600;
	[sflag:s23] =	ssyncset.done $0x0  }
0x4f: {  	s17 =	sadd.s32 $0x1000, s17;
	s5 =	simm.s32 @!p1 $0x6;
	[sflag:s23] =	ssyncadd.s32 $0xFFFFC000  }
0x50: {  	[hbm4b:s17+s4] =	stream.linear.scatter [tilespmem:s16], [sflag:$0x8], $0x4000, $0x38;
	[tilespmem:$0x1A600] =	vst v63  }
0x51: {  	_ =	swait.ge @!p1 [sflag:s5], $0x4000  }
0x52: {  	[sflag:s5] =	ssyncset.done @!p1 $0x0  }
0x53: {  	[sflag:s5] =	ssyncadd.s32 @!p1 $0xFFFFC000;
	s5 =	sshra.s32 @!p1 s15, $0x2  }
0x54: {  	s19 =	simm.s32 @!p1 $0x6400;
	s17 =	simm.s32 @!p1 $0x80;
	s6 =	sadd.s32 @!p1 $0x280, s5  }
0x55: {  	[tilespmem:s19], [sflag:$0x1] =	stream.indirect.gather @!p1 [spmem:s3], $0x80, s6, s17, $0xb8;
	[tilespmem:$0x1A600] =	vst v63  }
0x56: {  	_ =	swait.ge [sflag:s24], $0x4000  }
0x57: {  	[sflag:s24] =	ssyncset.done $0x0  }
0x58: {  	s19 =	sadd.s32 s1, s9;
	s6 =	simm.s32 @!p1 $0x7;
	[sflag:s24] =	ssyncadd.s32 $0xFFFFC000  }
0x59: {  	[hbm4b:s19+s4] =	stream.linear.scatter [tilespmem:s18], [sflag:$0x9], $0x4000, $0x38;
	[tilespmem:$0x1A600] =	vst v63  }
0x5a: {  	_ =	swait.ge @!p1 [sflag:s6], $0x4000  }
0x5b: {  	[sflag:s6] =	ssyncset.done @!p1 $0x0  }
0x5c: {  	s5 =	sadd.s32 @!p1 $0x300, s5;
	[sflag:s6] =	ssyncadd.s32 @!p1 $0xFFFFC000;
	s6 =	simm.s32 @!p1 $0xA400  }
0x5d: {  	[tilespmem:s6], [sflag:$0x2] =	stream.indirect.gather @!p1 [spmem:s3], $0x80, s5, s17, $0xb8;
	[tilespmem:$0x1A600] =	vst v63  }
.Ltmp2:
0x5e: {  	_ = 	snop;
	(pc) =	sbr.rel @p1 .LBB2_4-.Ltmp2, $4  }
0x5f: {  	_ =	swait.ge [sflag:s25], $0x4000  }
0x60: {  	[sflag:s25] =	ssyncset.done $0x0  }
0x61: {  	s19 =	sadd.s32 s1, s8;
	[sflag:s25] =	ssyncadd.s32 $0xFFFFC000  }
0x62: {  	[hbm4b:s19+s4] =	stream.linear.scatter [tilespmem:s20], [sflag:$0xA], $0x4000, $0x38;
	[tilespmem:$0x1A600] =	vst v63  }
.Ltmp3:
0x63: {  	(pc) =	sbr.rel .LBB2_2-.Ltmp3, $4  }
0x64: {  	_ =	swait.ge [sflag:s29], $0x4000;
	s5 =	sshra.s32 s15, $0x2  }
0x65: {  	s15 =	sadd.s32 $0xA00, s15;
	s1 =	sadd.s32 $0x2800, s1;
	[sflag:s29] =	ssyncset.done $0x0  }
0x66: {  	s0 =	sadd.s32 $0x5, s0;
	s5 =	sadd.s32 $0x380, s5;
	[sflag:s29] =	ssyncadd.s32 $0xFFFFC000  }
0x67: {  	[tilespmem:s16], [sflag:$0x3] =	stream.indirect.gather [spmem:s3], $0x80, s5, s12, $0xb8;
	[tilespmem:$0x1A600] =	vst v63  }
.LBB2_5:
0x68: {  	_ =	sfence.sel $0x180000  }
0x69: {  	[bflag:$0x0] =	sbarrier.arrive $0xFFFF  }
0x6a: {  	_ =	strace $0x90000047  }
0x6b: {  	[bflag:$0x2] =	sbarrier.arrive $0xFFFF  }
0x6c: {  	s0 =	rddreg [dreg:$0x4]  }
0x6d: {  	s0 =	sadd.s32 @!p0 $0x100000, s0  }
0x6e: {  	[sflag:s0] =	ssyncadd.tile.s32 @!p0 $0x1;
	_ =	shalt  }
.Lfunc_end2:
_tile_overlayer_lowered:
.L_overlay_start_2:
0x6f: {  	(tag) =	ssettag $0x2  }
0x70: {  	s0 =	rddreg [dreg:$0x0];
	s2 =	stileid.u32  }
0x71: {  	s1 =	rddreg [dreg:$0x1];
	p0 =	sne.s32 s2, $0x0  }
0x72: {  	s3 =	rddreg [dreg:$0x2];
	[bflag:$0x3] =	sbarrier.arrive $0xFFFF;
	s2 =	simm.s32 @!p0 $0x1C0B  }
0x73: {  	[timem:s3], [sflag:s2] =	dma.local @!p0 [hbm:s0], s1  }
0x74: {  	s0 =	simm.s32 @!p0 $0xB  }
0x75: {  	_ =	swait.ge @!p0 [sflag:s0], s1  }
0x76: {  	s1 =	ssub.s32 @!p0 $0x0, s1;
	[sflag:s0] =	ssyncset.done @!p0 $0x0  }
0x77: {  	[sflag:s0] =	ssyncadd.s32 @!p0 s1  }
0x78: {  	[bflag:$0x3] =	sbarrier.arrive $0xFFFF  }
0x79: {  	_ =	shalt  }

</sc_bundles>
